<compile_context>
chip_gen: v7x
topology: tpu7x:2x2x1
jax: 0.10.2.dev20260603
libtpu: 0.0.44.dev20260713+nightly
codegen_flags: <defaults>
</compile_context>

<pallas_src>
import functools

import jax
import jax.numpy as jnp
from jax import lax
from jax.experimental import pallas as pl
from jax.experimental.pallas import tpu as pltpu
from jax.experimental.pallas import tpu_sc as plsc

NC, NS = 2, 16
NW = NC * NS
SUB = 128
K = 2
CHUNK = SUB * K
NSLOT = 4


def _embed_body(n_quads, words_hbm, table_hbm, out_hbm, idx_v, rows_v,
                gsem0, gsem1, gsem2, gsem3, ssem0, ssem1, ssem2, ssem3):
    wid = lax.axis_index("s") * NC + lax.axis_index("c")
    n_chunks = NSLOT * n_quads
    chunk0 = wid * n_chunks
    gsems = (gsem0, gsem1, gsem2, gsem3)
    ssems = (ssem0, ssem1, ssem2, ssem3)

    pltpu.sync_copy(words_hbm.at[pl.ds(chunk0 * K, n_chunks * K)], idx_v)

    def gathers(g, b):
        return [
            pltpu.make_async_copy(
                table_hbm.at[idx_v.at[g * K + j]],
                rows_v.at[b, pl.ds(j * SUB, SUB)],
                gsems[b],
            )
            for j in range(K)
        ]

    def gather_fire(g, b):
        for cp in gathers(g, b):
            cp.start()

    def gather_wait(g, b):
        for cp in gathers(g, b):
            cp.wait()

    def store(g, b):
        return pltpu.make_async_copy(
            rows_v.at[b],
            out_hbm.at[pl.ds((chunk0 + g) * CHUNK, CHUNK)],
            ssems[b],
        )

    gather_fire(0, 0)
    gather_fire(1, 1)

    def quad_step(p, carry):
        for q in range(NSLOT):
            g = NSLOT * p + q
            nb = (q + 2) % NSLOT
            gather_wait(g, q)
            store(g, q).start()
            if q < 2:
                @pl.when(p > 0)
                def _():
                    store(g - 2, nb).wait()

                gather_fire(g + 2, nb)
            else:
                store(g - 2, nb).wait()

                @pl.when(p < n_quads - 1)
                def _():
                    gather_fire(g + 2, nb)

        return carry

    lax.fori_loop(0, n_quads, quad_step, 0)

    store(NSLOT * n_quads - 2, 2).wait()
    store(NSLOT * n_quads - 1, 3).wait()


def kernel(words, table):
    n_words = words.shape[0]
    embed_dim = table.shape[1]
    n_quads = n_words // (NW * NSLOT * CHUNK)
    assert n_words == NW * NSLOT * CHUNK * n_quads

    words2d = words.reshape(n_words // SUB, SUB)
    mesh = plsc.VectorSubcoreMesh(core_axis_name="c", subcore_axis_name="s")
    run = pl.kernel(
        functools.partial(_embed_body, n_quads),
        out_type=jax.ShapeDtypeStruct((n_words, embed_dim), jnp.float32),
        mesh=mesh,
        scratch_types=[
            pltpu.VMEM((NSLOT * n_quads * K, SUB), jnp.int32),
            pltpu.VMEM((NSLOT, CHUNK, embed_dim), jnp.float32),
            pltpu.SemaphoreType.DMA,
            pltpu.SemaphoreType.DMA,
            pltpu.SemaphoreType.DMA,
            pltpu.SemaphoreType.DMA,
            pltpu.SemaphoreType.DMA,
            pltpu.SemaphoreType.DMA,
            pltpu.SemaphoreType.DMA,
            pltpu.SemaphoreType.DMA,
        ],
        compiler_params=pltpu.CompilerParams(use_tc_tiling_on_sc=False),
    )
    return run(words2d, table)

# --- scband reference (transcript-rebuilt; emitter-appended) ---
"""Pipeline reference for scband-random-embedder-61057255080022 (READ-ONLY COPY).

The authoritative reference and input builder live on the scoring server;
editing this copy changes nothing except your own understanding.
"""

import jax, jax.numpy as jnp
import numpy as np

VOCAB = 100000
EMBED_DIM = 64
N_WORDS = 819200


def setup_inputs(seed: int = 0) -> dict:
    key = jax.random.key(seed)
    k_words, k_table = jax.random.split(key)
    words = jax.random.randint(k_words, (N_WORDS,), 0, VOCAB, dtype=jnp.int64 if jax.config.jax_enable_x64 else jnp.int32)
    words = words.astype(jnp.int32)
    # Embedding table: original inits each word row with uniform_(0, 1)
    table = jax.random.uniform(k_table, (VOCAB, EMBED_DIM), dtype=jnp.float32)
    return {"words": words, "table": table}


def reference(words, table):
    # Faithful translation: in-vocab words get their learned row;
    # out-of-vocab words get the zero unk_embedding.
    vocab_size = table.shape[0]
    in_vocab = (words >= 0) & (words < vocab_size)
    safe_idx = jnp.where(in_vocab, words, 0)
    emb = jnp.take(table, safe_idx, axis=0)
    out = jnp.where(in_vocab[:, None], emb, jnp.zeros_like(emb))
    return out

if __name__ == "__main__":
    import jax
    _d = setup_inputs()
    print(jax.jit(kernel)(*tuple(_d.values())))

</pallas_src>

<mosaic_0001>
#map = affine_map<(d0, d1) -> (0, 0)>
module attributes {stable_mosaic.version = 14 : i64} {
  func.func @_embed_body(%arg0: i32, %arg1: i32, %arg2: memref<6400x128xi32, #tpu.memory_space<hbm>>, %arg3: memref<100000x64xf32, #tpu.memory_space<hbm>>, %arg4: memref<819200x64xf32, #tpu.memory_space<hbm>>, %arg5: memref<200x128xi32, #tpu.memory_space<vmem>>, %arg6: memref<4x256x64xf32, #tpu.memory_space<vmem>>, %arg7: memref<!tpu.dma_semaphore, #tpu.memory_space<semaphore_mem>>, %arg8: memref<!tpu.dma_semaphore, #tpu.memory_space<semaphore_mem>>, %arg9: memref<!tpu.dma_semaphore, #tpu.memory_space<semaphore_mem>>, %arg10: memref<!tpu.dma_semaphore, #tpu.memory_space<semaphore_mem>>, %arg11: memref<!tpu.dma_semaphore, #tpu.memory_space<semaphore_mem>>, %arg12: memref<!tpu.dma_semaphore, #tpu.memory_space<semaphore_mem>>, %arg13: memref<!tpu.dma_semaphore, #tpu.memory_space<semaphore_mem>>, %arg14: memref<!tpu.dma_semaphore, #tpu.memory_space<semaphore_mem>>) attributes {dimension_semantics = [#tpu.dimension_semantics<core_parallel>, #tpu.dimension_semantics<subcore_parallel>], iteration_bounds = array<i64: 2, 16>, scalar_prefetch = 0 : i64, scratch_operands = 10 : i64, tpu.core_type = #tpu.core_type<sc_vector_subcore>, window_params = [{transform_indices = #map}, {transform_indices = #map}, {transform_indices = #map}]} {
    %mul3A = arith.constant 2 : i32
    %mul3A_0 = arith.muli %arg1, %mul3A : i32
    %add3A = arith.addi %mul3A_0, %arg0 : i32
    %mul3A_1 = arith.constant 100 : i32
    %mul3A_2 = arith.muli %add3A, %mul3A_1 : i32
    %mul3A_3 = arith.constant 2 : i32
    %mul3A_4 = arith.muli %mul3A_2, %mul3A_3 : i32
    "tpu.region"() ({
      %run_scoped3A = tpu.sem_alloc : memref<!tpu.dma_semaphore, #tpu.memory_space<semaphore_mem>>
      %dma_start3A_90 = arith.constant 0 : i32
      %dma_start3A_91 = tpu.memref_slice %arg2[%mul3A_4, %dma_start3A_90] : memref<6400x128xi32, #tpu.memory_space<hbm>> -> memref<200x128xi32, #tpu.memory_space<hbm>>
      %dma_start3A_92 = arith.constant 0 : i32
      %dma_start3A_93 = tpu.memref_slice %arg2[%mul3A_4, %dma_start3A_92] : memref<6400x128xi32, #tpu.memory_space<hbm>> -> memref<200x128xi32, #tpu.memory_space<hbm>>
      tpu.enqueue_dma source(%dma_start3A_93 : memref<200x128xi32, #tpu.memory_space<hbm>>) target(%arg5 : memref<200x128xi32, #tpu.memory_space<vmem>>) target_semaphore(%run_scoped3A : memref<!tpu.dma_semaphore, #tpu.memory_space<semaphore_mem>>)
      %dma_wait3A_94 = arith.constant 0 : i32
      %dma_wait3A_95 = tpu.memref_slice %arg2[%mul3A_4, %dma_wait3A_94] : memref<6400x128xi32, #tpu.memory_space<hbm>> -> memref<200x128xi32, #tpu.memory_space<hbm>>
      %dma_wait3A_96 = arith.constant 0 : i32
      %dma_wait3A_97 = tpu.memref_slice %arg2[%mul3A_4, %dma_wait3A_96] : memref<6400x128xi32, #tpu.memory_space<hbm>> -> memref<200x128xi32, #tpu.memory_space<hbm>>
      tpu.wait_dma2 semaphore(%run_scoped3A : memref<!tpu.dma_semaphore, #tpu.memory_space<semaphore_mem>>) src(%dma_wait3A_97 : memref<200x128xi32, #tpu.memory_space<hbm>>) dst(%arg5 : memref<200x128xi32, #tpu.memory_space<vmem>>)
      tpu.yield
    }) : () -> ()
    %dma_start3A = arith.constant 0 : i32
    %dma_start3A_5 = arith.constant 0 : i32
    %dma_start3A_6 = arith.constant 0 : i32
    %dma_start3A_7 = arith.constant 0 : i32
    %dma_start3A_8 = tpu.memref_slice %arg6[%dma_start3A_5, %dma_start3A_6, %dma_start3A_7] : memref<4x256x64xf32, #tpu.memory_space<vmem>> -> memref<1x128x64xf32, #tpu.memory_space<vmem>>
    %dma_start3A_9 = tpu.memref_squeeze %dma_start3A_8 : memref<1x128x64xf32, #tpu.memory_space<vmem>> -> memref<128x64xf32, #tpu.memory_space<vmem>>
    %dma_start3A_10 = arith.constant 0 : i32
    %dma_start3A_11 = tpu.memref_slice %arg5[%dma_start3A, %dma_start3A_10] : memref<200x128xi32, #tpu.memory_space<vmem>> -> memref<1x128xi32, #tpu.memory_space<vmem>>
    %dma_start3A_12 = tpu.memref_squeeze %dma_start3A_11 : memref<1x128xi32, #tpu.memory_space<vmem>> -> memref<128xi32, #tpu.memory_space<vmem>>
    %dma_start3A_13 = arith.constant 0 : i32
    %dma_start3A_14 = arith.constant 0 : i32
    %dma_start3A_15 = tpu.memref_slice %arg3[%dma_start3A_13, %dma_start3A_14] : memref<100000x64xf32, #tpu.memory_space<hbm>> -> memref<100000x64xf32, #tpu.memory_space<hbm>>
    tpu.enqueue_indirect_dma source(%dma_start3A_15 : memref<100000x64xf32, #tpu.memory_space<hbm>>) target(%dma_start3A_9 : memref<128x64xf32, #tpu.memory_space<vmem>>) offsets(%dma_start3A_12 : memref<128xi32, #tpu.memory_space<vmem>>) semaphore(%arg7 : memref<!tpu.dma_semaphore, #tpu.memory_space<semaphore_mem>>)
    %dma_start3A_16 = arith.constant 1 : i32
    %dma_start3A_17 = arith.constant 0 : i32
    %dma_start3A_18 = arith.constant 128 : i32
    %dma_start3A_19 = arith.constant 0 : i32
    %dma_start3A_20 = tpu.memref_slice %arg6[%dma_start3A_17, %dma_start3A_18, %dma_start3A_19] : memref<4x256x64xf32, #tpu.memory_space<vmem>> -> memref<1x128x64xf32, #tpu.memory_space<vmem>>
    %dma_start3A_21 = tpu.memref_squeeze %dma_start3A_20 : memref<1x128x64xf32, #tpu.memory_space<vmem>> -> memref<128x64xf32, #tpu.memory_space<vmem>>
    %dma_start3A_22 = arith.constant 0 : i32
    %dma_start3A_23 = tpu.memref_slice %arg5[%dma_start3A_16, %dma_start3A_22] : memref<200x128xi32, #tpu.memory_space<vmem>> -> memref<1x128xi32, #tpu.memory_space<vmem>>
    %dma_start3A_24 = tpu.memref_squeeze %dma_start3A_23 : memref<1x128xi32, #tpu.memory_space<vmem>> -> memref<128xi32, #tpu.memory_space<vmem>>
    %dma_start3A_25 = arith.constant 0 : i32
    %dma_start3A_26 = arith.constant 0 : i32
    %dma_start3A_27 = tpu.memref_slice %arg3[%dma_start3A_25, %dma_start3A_26] : memref<100000x64xf32, #tpu.memory_space<hbm>> -> memref<100000x64xf32, #tpu.memory_space<hbm>>
    tpu.enqueue_indirect_dma source(%dma_start3A_27 : memref<100000x64xf32, #tpu.memory_space<hbm>>) target(%dma_start3A_21 : memref<128x64xf32, #tpu.memory_space<vmem>>) offsets(%dma_start3A_24 : memref<128xi32, #tpu.memory_space<vmem>>) semaphore(%arg7 : memref<!tpu.dma_semaphore, #tpu.memory_space<semaphore_mem>>)
    %dma_start3A_28 = arith.constant 2 : i32
    %dma_start3A_29 = arith.constant 1 : i32
    %dma_start3A_30 = arith.constant 0 : i32
    %dma_start3A_31 = arith.constant 0 : i32
    %dma_start3A_32 = tpu.memref_slice %arg6[%dma_start3A_29, %dma_start3A_30, %dma_start3A_31] : memref<4x256x64xf32, #tpu.memory_space<vmem>> -> memref<1x128x64xf32, #tpu.memory_space<vmem>>
    %dma_start3A_33 = tpu.memref_squeeze %dma_start3A_32 : memref<1x128x64xf32, #tpu.memory_space<vmem>> -> memref<128x64xf32, #tpu.memory_space<vmem>>
    %dma_start3A_34 = arith.constant 0 : i32
    %dma_start3A_35 = tpu.memref_slice %arg5[%dma_start3A_28, %dma_start3A_34] : memref<200x128xi32, #tpu.memory_space<vmem>> -> memref<1x128xi32, #tpu.memory_space<vmem>>
    %dma_start3A_36 = tpu.memref_squeeze %dma_start3A_35 : memref<1x128xi32, #tpu.memory_space<vmem>> -> memref<128xi32, #tpu.memory_space<vmem>>
    %dma_start3A_37 = arith.constant 0 : i32
    %dma_start3A_38 = arith.constant 0 : i32
    %dma_start3A_39 = tpu.memref_slice %arg3[%dma_start3A_37, %dma_start3A_38] : memref<100000x64xf32, #tpu.memory_space<hbm>> -> memref<100000x64xf32, #tpu.memory_space<hbm>>
    tpu.enqueue_indirect_dma source(%dma_start3A_39 : memref<100000x64xf32, #tpu.memory_space<hbm>>) target(%dma_start3A_33 : memref<128x64xf32, #tpu.memory_space<vmem>>) offsets(%dma_start3A_36 : memref<128xi32, #tpu.memory_space<vmem>>) semaphore(%arg8 : memref<!tpu.dma_semaphore, #tpu.memory_space<semaphore_mem>>)
    %dma_start3A_40 = arith.constant 3 : i32
    %dma_start3A_41 = arith.constant 1 : i32
    %dma_start3A_42 = arith.constant 128 : i32
    %dma_start3A_43 = arith.constant 0 : i32
    %dma_start3A_44 = tpu.memref_slice %arg6[%dma_start3A_41, %dma_start3A_42, %dma_start3A_43] : memref<4x256x64xf32, #tpu.memory_space<vmem>> -> memref<1x128x64xf32, #tpu.memory_space<vmem>>
    %dma_start3A_45 = tpu.memref_squeeze %dma_start3A_44 : memref<1x128x64xf32, #tpu.memory_space<vmem>> -> memref<128x64xf32, #tpu.memory_space<vmem>>
    %dma_start3A_46 = arith.constant 0 : i32
    %dma_start3A_47 = tpu.memref_slice %arg5[%dma_start3A_40, %dma_start3A_46] : memref<200x128xi32, #tpu.memory_space<vmem>> -> memref<1x128xi32, #tpu.memory_space<vmem>>
    %dma_start3A_48 = tpu.memref_squeeze %dma_start3A_47 : memref<1x128xi32, #tpu.memory_space<vmem>> -> memref<128xi32, #tpu.memory_space<vmem>>
    %dma_start3A_49 = arith.constant 0 : i32
    %dma_start3A_50 = arith.constant 0 : i32
    %dma_start3A_51 = tpu.memref_slice %arg3[%dma_start3A_49, %dma_start3A_50] : memref<100000x64xf32, #tpu.memory_space<hbm>> -> memref<100000x64xf32, #tpu.memory_space<hbm>>
    tpu.enqueue_indirect_dma source(%dma_start3A_51 : memref<100000x64xf32, #tpu.memory_space<hbm>>) target(%dma_start3A_45 : memref<128x64xf32, #tpu.memory_space<vmem>>) offsets(%dma_start3A_48 : memref<128xi32, #tpu.memory_space<vmem>>) semaphore(%arg8 : memref<!tpu.dma_semaphore, #tpu.memory_space<semaphore_mem>>)
    %scan3A = arith.constant 0 : i32
    %scan3A_52 = arith.constant 0 : i32
    %scan3A_53 = arith.constant 25 : i32
    %scan3A_54 = arith.addi %scan3A_52, %scan3A_53 : i32
    %scan3A_55 = arith.constant 1 : i32
    scf.for %scan3A_90 = %scan3A_52 to %scan3A_54 step %scan3A_55  : i32 {
      %mul3A_91 = arith.constant 4 : i32
      %mul3A_92 = arith.muli %mul3A_91, %scan3A_90 : i32
      %add3A_93 = arith.constant 0 : i32
      %add3A_94 = arith.addi %mul3A_92, %add3A_93 : i32
      %mul3A_95 = arith.constant 2 : i32
      %mul3A_96 = arith.muli %add3A_94, %mul3A_95 : i32
      %add3A_97 = arith.constant 0 : i32
      %add3A_98 = arith.addi %mul3A_96, %add3A_97 : i32
      %mul3A_99 = arith.constant 2 : i32
      %mul3A_100 = arith.muli %add3A_94, %mul3A_99 : i32
      %add3A_101 = arith.constant 1 : i32
      %add3A_102 = arith.addi %mul3A_100, %add3A_101 : i32
      %dma_wait3A_103 = arith.constant 0 : i32
      %dma_wait3A_104 = arith.constant 0 : i32
      %dma_wait3A_105 = arith.constant 0 : i32
      %dma_wait3A_106 = tpu.memref_slice %arg6[%dma_wait3A_103, %dma_wait3A_104, %dma_wait3A_105] : memref<4x256x64xf32, #tpu.memory_space<vmem>> -> memref<1x128x64xf32, #tpu.memory_space<vmem>>
      %dma_wait3A_107 = tpu.memref_squeeze %dma_wait3A_106 : memref<1x128x64xf32, #tpu.memory_space<vmem>> -> memref<128x64xf32, #tpu.memory_space<vmem>>
      %dma_wait3A_108 = arith.constant 0 : i32
      %dma_wait3A_109 = tpu.memref_slice %arg5[%add3A_98, %dma_wait3A_108] : memref<200x128xi32, #tpu.memory_space<vmem>> -> memref<1x128xi32, #tpu.memory_space<vmem>>
      %dma_wait3A_110 = tpu.memref_squeeze %dma_wait3A_109 : memref<1x128xi32, #tpu.memory_space<vmem>> -> memref<128xi32, #tpu.memory_space<vmem>>
      %dma_wait3A_111 = arith.constant 0 : i32
      %dma_wait3A_112 = arith.constant 0 : i32
      %dma_wait3A_113 = tpu.memref_slice %arg3[%dma_wait3A_111, %dma_wait3A_112] : memref<100000x64xf32, #tpu.memory_space<hbm>> -> memref<100000x64xf32, #tpu.memory_space<hbm>>
      tpu.wait_indirect_dma semaphore(%arg7 : memref<!tpu.dma_semaphore, #tpu.memory_space<semaphore_mem>>) src(%dma_wait3A_113 : memref<100000x64xf32, #tpu.memory_space<hbm>>) dst(%dma_wait3A_107 : memref<128x64xf32, #tpu.memory_space<vmem>>)
      %dma_wait3A_114 = arith.constant 0 : i32
      %dma_wait3A_115 = arith.constant 128 : i32
      %dma_wait3A_116 = arith.constant 0 : i32
      %dma_wait3A_117 = tpu.memref_slice %arg6[%dma_wait3A_114, %dma_wait3A_115, %dma_wait3A_116] : memref<4x256x64xf32, #tpu.memory_space<vmem>> -> memref<1x128x64xf32, #tpu.memory_space<vmem>>
      %dma_wait3A_118 = tpu.memref_squeeze %dma_wait3A_117 : memref<1x128x64xf32, #tpu.memory_space<vmem>> -> memref<128x64xf32, #tpu.memory_space<vmem>>
      %dma_wait3A_119 = arith.constant 0 : i32
      %dma_wait3A_120 = tpu.memref_slice %arg5[%add3A_102, %dma_wait3A_119] : memref<200x128xi32, #tpu.memory_space<vmem>> -> memref<1x128xi32, #tpu.memory_space<vmem>>
      %dma_wait3A_121 = tpu.memref_squeeze %dma_wait3A_120 : memref<1x128xi32, #tpu.memory_space<vmem>> -> memref<128xi32, #tpu.memory_space<vmem>>
      %dma_wait3A_122 = arith.constant 0 : i32
      %dma_wait3A_123 = arith.constant 0 : i32
      %dma_wait3A_124 = tpu.memref_slice %arg3[%dma_wait3A_122, %dma_wait3A_123] : memref<100000x64xf32, #tpu.memory_space<hbm>> -> memref<100000x64xf32, #tpu.memory_space<hbm>>
      tpu.wait_indirect_dma semaphore(%arg7 : memref<!tpu.dma_semaphore, #tpu.memory_space<semaphore_mem>>) src(%dma_wait3A_124 : memref<100000x64xf32, #tpu.memory_space<hbm>>) dst(%dma_wait3A_118 : memref<128x64xf32, #tpu.memory_space<vmem>>)
      %add3A_125 = arith.addi %mul3A_2, %add3A_94 : i32
      %mul3A_126 = arith.constant 256 : i32
      %mul3A_127 = arith.muli %add3A_125, %mul3A_126 : i32
      %dma_start3A_128 = arith.constant 0 : i32
      %dma_start3A_129 = arith.constant 0 : i32
      %dma_start3A_130 = arith.constant 0 : i32
      %dma_start3A_131 = tpu.memref_slice %arg6[%dma_start3A_128, %dma_start3A_129, %dma_start3A_130] : memref<4x256x64xf32, #tpu.memory_space<vmem>> -> memref<1x256x64xf32, #tpu.memory_space<vmem>>
      %dma_start3A_132 = tpu.memref_squeeze %dma_start3A_131 : memref<1x256x64xf32, #tpu.memory_space<vmem>> -> memref<256x64xf32, #tpu.memory_space<vmem>>
      %dma_start3A_133 = arith.constant 0 : i32
      %dma_start3A_134 = tpu.memref_slice %arg4[%mul3A_127, %dma_start3A_133] : memref<819200x64xf32, #tpu.memory_space<hbm>> -> memref<256x64xf32, #tpu.memory_space<hbm>>
      %dma_start3A_135 = arith.constant 0 : i32
      %dma_start3A_136 = tpu.memref_slice %arg4[%mul3A_127, %dma_start3A_135] : memref<819200x64xf32, #tpu.memory_space<hbm>> -> memref<256x64xf32, #tpu.memory_space<hbm>>
      %dma_start3A_137 = arith.constant 0 : i32
      %dma_start3A_138 = arith.constant 0 : i32
      %dma_start3A_139 = tpu.memref_slice %arg6[%dma_start3A_128, %dma_start3A_137, %dma_start3A_138] : memref<4x256x64xf32, #tpu.memory_space<vmem>> -> memref<1x256x64xf32, #tpu.memory_space<vmem>>
      %dma_start3A_140 = tpu.memref_squeeze %dma_start3A_139 : memref<1x256x64xf32, #tpu.memory_space<vmem>> -> memref<256x64xf32, #tpu.memory_space<vmem>>
      tpu.enqueue_dma source(%dma_start3A_140 : memref<256x64xf32, #tpu.memory_space<vmem>>) target(%dma_start3A_136 : memref<256x64xf32, #tpu.memory_space<hbm>>) target_semaphore(%arg11 : memref<!tpu.dma_semaphore, #tpu.memory_space<semaphore_mem>>)
      %gt3A = arith.constant 0 : i32
      %gt3A_141 = arith.cmpi sgt, %scan3A_90, %gt3A : i32
      %convert_element_type3A = arith.extui %gt3A_141 : i1 to i32
      %cond3A = arith.constant 0 : i32
      %cond3A_142 = arith.cmpi ne, %convert_element_type3A, %cond3A : i32
      scf.if %cond3A_142 {
        %sub3A_406 = arith.constant 2 : i32
        %sub3A_407 = arith.subi %add3A_94, %sub3A_406 : i32
        %add3A_408 = arith.addi %mul3A_2, %sub3A_407 : i32
        %mul3A_409 = arith.constant 256 : i32
        %mul3A_410 = arith.muli %add3A_408, %mul3A_409 : i32
        %dma_wait3A_411 = arith.constant 2 : i32
        %dma_wait3A_412 = arith.constant 0 : i32
        %dma_wait3A_413 = arith.constant 0 : i32
        %dma_wait3A_414 = tpu.memref_slice %arg6[%dma_wait3A_411, %dma_wait3A_412, %dma_wait3A_413] : memref<4x256x64xf32, #tpu.memory_space<vmem>> -> memref<1x256x64xf32, #tpu.memory_space<vmem>>
        %dma_wait3A_415 = tpu.memref_squeeze %dma_wait3A_414 : memref<1x256x64xf32, #tpu.memory_space<vmem>> -> memref<256x64xf32, #tpu.memory_space<vmem>>
        %dma_wait3A_416 = arith.constant 0 : i32
        %dma_wait3A_417 = tpu.memref_slice %arg4[%mul3A_410, %dma_wait3A_416] : memref<819200x64xf32, #tpu.memory_space<hbm>> -> memref<256x64xf32, #tpu.memory_space<hbm>>
        %dma_wait3A_418 = arith.constant 0 : i32
        %dma_wait3A_419 = tpu.memref_slice %arg4[%mul3A_410, %dma_wait3A_418] : memref<819200x64xf32, #tpu.memory_space<hbm>> -> memref<256x64xf32, #tpu.memory_space<hbm>>
        %dma_wait3A_420 = arith.constant 0 : i32
        %dma_wait3A_421 = arith.constant 0 : i32
        %dma_wait3A_422 = tpu.memref_slice %arg6[%dma_wait3A_411, %dma_wait3A_420, %dma_wait3A_421] : memref<4x256x64xf32, #tpu.memory_space<vmem>> -> memref<1x256x64xf32, #tpu.memory_space<vmem>>
        %dma_wait3A_423 = tpu.memref_squeeze %dma_wait3A_422 : memref<1x256x64xf32, #tpu.memory_space<vmem>> -> memref<256x64xf32, #tpu.memory_space<vmem>>
        tpu.wait_dma2 semaphore(%arg13 : memref<!tpu.dma_semaphore, #tpu.memory_space<semaphore_mem>>) src(%dma_wait3A_423 : memref<256x64xf32, #tpu.memory_space<vmem>>) dst(%dma_wait3A_419 : memref<256x64xf32, #tpu.memory_space<hbm>>)
      } else {
      }
      %add3A_143 = arith.constant 2 : i32
      %add3A_144 = arith.addi %add3A_94, %add3A_143 : i32
      %mul3A_145 = arith.constant 2 : i32
      %mul3A_146 = arith.muli %add3A_144, %mul3A_145 : i32
      %add3A_147 = arith.constant 0 : i32
      %add3A_148 = arith.addi %mul3A_146, %add3A_147 : i32
      %mul3A_149 = arith.constant 2 : i32
      %mul3A_150 = arith.muli %add3A_144, %mul3A_149 : i32
      %add3A_151 = arith.constant 1 : i32
      %add3A_152 = arith.addi %mul3A_150, %add3A_151 : i32
      %dma_start3A_153 = arith.constant 2 : i32
      %dma_start3A_154 = arith.constant 0 : i32
      %dma_start3A_155 = arith.constant 0 : i32
      %dma_start3A_156 = tpu.memref_slice %arg6[%dma_start3A_153, %dma_start3A_154, %dma_start3A_155] : memref<4x256x64xf32, #tpu.memory_space<vmem>> -> memref<1x128x64xf32, #tpu.memory_space<vmem>>
      %dma_start3A_157 = tpu.memref_squeeze %dma_start3A_156 : memref<1x128x64xf32, #tpu.memory_space<vmem>> -> memref<128x64xf32, #tpu.memory_space<vmem>>
      %dma_start3A_158 = arith.constant 0 : i32
      %dma_start3A_159 = tpu.memref_slice %arg5[%add3A_148, %dma_start3A_158] : memref<200x128xi32, #tpu.memory_space<vmem>> -> memref<1x128xi32, #tpu.memory_space<vmem>>
      %dma_start3A_160 = tpu.memref_squeeze %dma_start3A_159 : memref<1x128xi32, #tpu.memory_space<vmem>> -> memref<128xi32, #tpu.memory_space<vmem>>
      %dma_start3A_161 = arith.constant 0 : i32
      %dma_start3A_162 = arith.constant 0 : i32
      %dma_start3A_163 = tpu.memref_slice %arg3[%dma_start3A_161, %dma_start3A_162] : memref<100000x64xf32, #tpu.memory_space<hbm>> -> memref<100000x64xf32, #tpu.memory_space<hbm>>
      tpu.enqueue_indirect_dma source(%dma_start3A_163 : memref<100000x64xf32, #tpu.memory_space<hbm>>) target(%dma_start3A_157 : memref<128x64xf32, #tpu.memory_space<vmem>>) offsets(%dma_start3A_160 : memref<128xi32, #tpu.memory_space<vmem>>) semaphore(%arg9 : memref<!tpu.dma_semaphore, #tpu.memory_space<semaphore_mem>>)
      %dma_start3A_164 = arith.constant 2 : i32
      %dma_start3A_165 = arith.constant 128 : i32
      %dma_start3A_166 = arith.constant 0 : i32
      %dma_start3A_167 = tpu.memref_slice %arg6[%dma_start3A_164, %dma_start3A_165, %dma_start3A_166] : memref<4x256x64xf32, #tpu.memory_space<vmem>> -> memref<1x128x64xf32, #tpu.memory_space<vmem>>
      %dma_start3A_168 = tpu.memref_squeeze %dma_start3A_167 : memref<1x128x64xf32, #tpu.memory_space<vmem>> -> memref<128x64xf32, #tpu.memory_space<vmem>>
      %dma_start3A_169 = arith.constant 0 : i32
      %dma_start3A_170 = tpu.memref_slice %arg5[%add3A_152, %dma_start3A_169] : memref<200x128xi32, #tpu.memory_space<vmem>> -> memref<1x128xi32, #tpu.memory_space<vmem>>
      %dma_start3A_171 = tpu.memref_squeeze %dma_start3A_170 : memref<1x128xi32, #tpu.memory_space<vmem>> -> memref<128xi32, #tpu.memory_space<vmem>>
      %dma_start3A_172 = arith.constant 0 : i32
      %dma_start3A_173 = arith.constant 0 : i32
      %dma_start3A_174 = tpu.memref_slice %arg3[%dma_start3A_172, %dma_start3A_173] : memref<100000x64xf32, #tpu.memory_space<hbm>> -> memref<100000x64xf32, #tpu.memory_space<hbm>>
      tpu.enqueue_indirect_dma source(%dma_start3A_174 : memref<100000x64xf32, #tpu.memory_space<hbm>>) target(%dma_start3A_168 : memref<128x64xf32, #tpu.memory_space<vmem>>) offsets(%dma_start3A_171 : memref<128xi32, #tpu.memory_space<vmem>>) semaphore(%arg9 : memref<!tpu.dma_semaphore, #tpu.memory_space<semaphore_mem>>)
      %mul3A_175 = arith.constant 4 : i32
      %mul3A_176 = arith.muli %mul3A_175, %scan3A_90 : i32
      %add3A_177 = arith.constant 1 : i32
      %add3A_178 = arith.addi %mul3A_176, %add3A_177 : i32
      %mul3A_179 = arith.constant 2 : i32
      %mul3A_180 = arith.muli %add3A_178, %mul3A_179 : i32
      %add3A_181 = arith.constant 0 : i32
      %add3A_182 = arith.addi %mul3A_180, %add3A_181 : i32
      %mul3A_183 = arith.constant 2 : i32
      %mul3A_184 = arith.muli %add3A_178, %mul3A_183 : i32
      %add3A_185 = arith.constant 1 : i32
      %add3A_186 = arith.addi %mul3A_184, %add3A_185 : i32
      %dma_wait3A_187 = arith.constant 1 : i32
      %dma_wait3A_188 = arith.constant 0 : i32
      %dma_wait3A_189 = arith.constant 0 : i32
      %dma_wait3A_190 = tpu.memref_slice %arg6[%dma_wait3A_187, %dma_wait3A_188, %dma_wait3A_189] : memref<4x256x64xf32, #tpu.memory_space<vmem>> -> memref<1x128x64xf32, #tpu.memory_space<vmem>>
      %dma_wait3A_191 = tpu.memref_squeeze %dma_wait3A_190 : memref<1x128x64xf32, #tpu.memory_space<vmem>> -> memref<128x64xf32, #tpu.memory_space<vmem>>
      %dma_wait3A_192 = arith.constant 0 : i32
      %dma_wait3A_193 = tpu.memref_slice %arg5[%add3A_182, %dma_wait3A_192] : memref<200x128xi32, #tpu.memory_space<vmem>> -> memref<1x128xi32, #tpu.memory_space<vmem>>
      %dma_wait3A_194 = tpu.memref_squeeze %dma_wait3A_193 : memref<1x128xi32, #tpu.memory_space<vmem>> -> memref<128xi32, #tpu.memory_space<vmem>>
      %dma_wait3A_195 = arith.constant 0 : i32
      %dma_wait3A_196 = arith.constant 0 : i32
      %dma_wait3A_197 = tpu.memref_slice %arg3[%dma_wait3A_195, %dma_wait3A_196] : memref<100000x64xf32, #tpu.memory_space<hbm>> -> memref<100000x64xf32, #tpu.memory_space<hbm>>
      tpu.wait_indirect_dma semaphore(%arg8 : memref<!tpu.dma_semaphore, #tpu.memory_space<semaphore_mem>>) src(%dma_wait3A_197 : memref<100000x64xf32, #tpu.memory_space<hbm>>) dst(%dma_wait3A_191 : memref<128x64xf32, #tpu.memory_space<vmem>>)
      %dma_wait3A_198 = arith.constant 1 : i32
      %dma_wait3A_199 = arith.constant 128 : i32
      %dma_wait3A_200 = arith.constant 0 : i32
      %dma_wait3A_201 = tpu.memref_slice %arg6[%dma_wait3A_198, %dma_wait3A_199, %dma_wait3A_200] : memref<4x256x64xf32, #tpu.memory_space<vmem>> -> memref<1x128x64xf32, #tpu.memory_space<vmem>>
      %dma_wait3A_202 = tpu.memref_squeeze %dma_wait3A_201 : memref<1x128x64xf32, #tpu.memory_space<vmem>> -> memref<128x64xf32, #tpu.memory_space<vmem>>
      %dma_wait3A_203 = arith.constant 0 : i32
      %dma_wait3A_204 = tpu.memref_slice %arg5[%add3A_186, %dma_wait3A_203] : memref<200x128xi32, #tpu.memory_space<vmem>> -> memref<1x128xi32, #tpu.memory_space<vmem>>
      %dma_wait3A_205 = tpu.memref_squeeze %dma_wait3A_204 : memref<1x128xi32, #tpu.memory_space<vmem>> -> memref<128xi32, #tpu.memory_space<vmem>>
      %dma_wait3A_206 = arith.constant 0 : i32
      %dma_wait3A_207 = arith.constant 0 : i32
      %dma_wait3A_208 = tpu.memref_slice %arg3[%dma_wait3A_206, %dma_wait3A_207] : memref<100000x64xf32, #tpu.memory_space<hbm>> -> memref<100000x64xf32, #tpu.memory_space<hbm>>
      tpu.wait_indirect_dma semaphore(%arg8 : memref<!tpu.dma_semaphore, #tpu.memory_space<semaphore_mem>>) src(%dma_wait3A_208 : memref<100000x64xf32, #tpu.memory_space<hbm>>) dst(%dma_wait3A_202 : memref<128x64xf32, #tpu.memory_space<vmem>>)
      %add3A_209 = arith.addi %mul3A_2, %add3A_178 : i32
      %mul3A_210 = arith.constant 256 : i32
      %mul3A_211 = arith.muli %add3A_209, %mul3A_210 : i32
      %dma_start3A_212 = arith.constant 1 : i32
      %dma_start3A_213 = arith.constant 0 : i32
      %dma_start3A_214 = arith.constant 0 : i32
      %dma_start3A_215 = tpu.memref_slice %arg6[%dma_start3A_212, %dma_start3A_213, %dma_start3A_214] : memref<4x256x64xf32, #tpu.memory_space<vmem>> -> memref<1x256x64xf32, #tpu.memory_space<vmem>>
      %dma_start3A_216 = tpu.memref_squeeze %dma_start3A_215 : memref<1x256x64xf32, #tpu.memory_space<vmem>> -> memref<256x64xf32, #tpu.memory_space<vmem>>
      %dma_start3A_217 = arith.constant 0 : i32
      %dma_start3A_218 = tpu.memref_slice %arg4[%mul3A_211, %dma_start3A_217] : memref<819200x64xf32, #tpu.memory_space<hbm>> -> memref<256x64xf32, #tpu.memory_space<hbm>>
      %dma_start3A_219 = arith.constant 0 : i32
      %dma_start3A_220 = tpu.memref_slice %arg4[%mul3A_211, %dma_start3A_219] : memref<819200x64xf32, #tpu.memory_space<hbm>> -> memref<256x64xf32, #tpu.memory_space<hbm>>
      %dma_start3A_221 = arith.constant 0 : i32
      %dma_start3A_222 = arith.constant 0 : i32
      %dma_start3A_223 = tpu.memref_slice %arg6[%dma_start3A_212, %dma_start3A_221, %dma_start3A_222] : memref<4x256x64xf32, #tpu.memory_space<vmem>> -> memref<1x256x64xf32, #tpu.memory_space<vmem>>
      %dma_start3A_224 = tpu.memref_squeeze %dma_start3A_223 : memref<1x256x64xf32, #tpu.memory_space<vmem>> -> memref<256x64xf32, #tpu.memory_space<vmem>>
      tpu.enqueue_dma source(%dma_start3A_224 : memref<256x64xf32, #tpu.memory_space<vmem>>) target(%dma_start3A_220 : memref<256x64xf32, #tpu.memory_space<hbm>>) target_semaphore(%arg12 : memref<!tpu.dma_semaphore, #tpu.memory_space<semaphore_mem>>)
      %gt3A_225 = arith.constant 0 : i32
      %gt3A_226 = arith.cmpi sgt, %scan3A_90, %gt3A_225 : i32
      %convert_element_type3A_227 = arith.extui %gt3A_226 : i1 to i32
      %cond3A_228 = arith.constant 0 : i32
      %cond3A_229 = arith.cmpi ne, %convert_element_type3A_227, %cond3A_228 : i32
      scf.if %cond3A_229 {
        %sub3A_406 = arith.constant 2 : i32
        %sub3A_407 = arith.subi %add3A_178, %sub3A_406 : i32
        %add3A_408 = arith.addi %mul3A_2, %sub3A_407 : i32
        %mul3A_409 = arith.constant 256 : i32
        %mul3A_410 = arith.muli %add3A_408, %mul3A_409 : i32
        %dma_wait3A_411 = arith.constant 3 : i32
        %dma_wait3A_412 = arith.constant 0 : i32
        %dma_wait3A_413 = arith.constant 0 : i32
        %dma_wait3A_414 = tpu.memref_slice %arg6[%dma_wait3A_411, %dma_wait3A_412, %dma_wait3A_413] : memref<4x256x64xf32, #tpu.memory_space<vmem>> -> memref<1x256x64xf32, #tpu.memory_space<vmem>>
        %dma_wait3A_415 = tpu.memref_squeeze %dma_wait3A_414 : memref<1x256x64xf32, #tpu.memory_space<vmem>> -> memref<256x64xf32, #tpu.memory_space<vmem>>
        %dma_wait3A_416 = arith.constant 0 : i32
        %dma_wait3A_417 = tpu.memref_slice %arg4[%mul3A_410, %dma_wait3A_416] : memref<819200x64xf32, #tpu.memory_space<hbm>> -> memref<256x64xf32, #tpu.memory_space<hbm>>
        %dma_wait3A_418 = arith.constant 0 : i32
        %dma_wait3A_419 = tpu.memref_slice %arg4[%mul3A_410, %dma_wait3A_418] : memref<819200x64xf32, #tpu.memory_space<hbm>> -> memref<256x64xf32, #tpu.memory_space<hbm>>
        %dma_wait3A_420 = arith.constant 0 : i32
        %dma_wait3A_421 = arith.constant 0 : i32
        %dma_wait3A_422 = tpu.memref_slice %arg6[%dma_wait3A_411, %dma_wait3A_420, %dma_wait3A_421] : memref<4x256x64xf32, #tpu.memory_space<vmem>> -> memref<1x256x64xf32, #tpu.memory_space<vmem>>
        %dma_wait3A_423 = tpu.memref_squeeze %dma_wait3A_422 : memref<1x256x64xf32, #tpu.memory_space<vmem>> -> memref<256x64xf32, #tpu.memory_space<vmem>>
        tpu.wait_dma2 semaphore(%arg14 : memref<!tpu.dma_semaphore, #tpu.memory_space<semaphore_mem>>) src(%dma_wait3A_423 : memref<256x64xf32, #tpu.memory_space<vmem>>) dst(%dma_wait3A_419 : memref<256x64xf32, #tpu.memory_space<hbm>>)
      } else {
      }
      %add3A_230 = arith.constant 2 : i32
      %add3A_231 = arith.addi %add3A_178, %add3A_230 : i32
      %mul3A_232 = arith.constant 2 : i32
      %mul3A_233 = arith.muli %add3A_231, %mul3A_232 : i32
      %add3A_234 = arith.constant 0 : i32
      %add3A_235 = arith.addi %mul3A_233, %add3A_234 : i32
      %mul3A_236 = arith.constant 2 : i32
      %mul3A_237 = arith.muli %add3A_231, %mul3A_236 : i32
      %add3A_238 = arith.constant 1 : i32
      %add3A_239 = arith.addi %mul3A_237, %add3A_238 : i32
      %dma_start3A_240 = arith.constant 3 : i32
      %dma_start3A_241 = arith.constant 0 : i32
      %dma_start3A_242 = arith.constant 0 : i32
      %dma_start3A_243 = tpu.memref_slice %arg6[%dma_start3A_240, %dma_start3A_241, %dma_start3A_242] : memref<4x256x64xf32, #tpu.memory_space<vmem>> -> memref<1x128x64xf32, #tpu.memory_space<vmem>>
      %dma_start3A_244 = tpu.memref_squeeze %dma_start3A_243 : memref<1x128x64xf32, #tpu.memory_space<vmem>> -> memref<128x64xf32, #tpu.memory_space<vmem>>
      %dma_start3A_245 = arith.constant 0 : i32
      %dma_start3A_246 = tpu.memref_slice %arg5[%add3A_235, %dma_start3A_245] : memref<200x128xi32, #tpu.memory_space<vmem>> -> memref<1x128xi32, #tpu.memory_space<vmem>>
      %dma_start3A_247 = tpu.memref_squeeze %dma_start3A_246 : memref<1x128xi32, #tpu.memory_space<vmem>> -> memref<128xi32, #tpu.memory_space<vmem>>
      %dma_start3A_248 = arith.constant 0 : i32
      %dma_start3A_249 = arith.constant 0 : i32
      %dma_start3A_250 = tpu.memref_slice %arg3[%dma_start3A_248, %dma_start3A_249] : memref<100000x64xf32, #tpu.memory_space<hbm>> -> memref<100000x64xf32, #tpu.memory_space<hbm>>
      tpu.enqueue_indirect_dma source(%dma_start3A_250 : memref<100000x64xf32, #tpu.memory_space<hbm>>) target(%dma_start3A_244 : memref<128x64xf32, #tpu.memory_space<vmem>>) offsets(%dma_start3A_247 : memref<128xi32, #tpu.memory_space<vmem>>) semaphore(%arg10 : memref<!tpu.dma_semaphore, #tpu.memory_space<semaphore_mem>>)
      %dma_start3A_251 = arith.constant 3 : i32
      %dma_start3A_252 = arith.constant 128 : i32
      %dma_start3A_253 = arith.constant 0 : i32
      %dma_start3A_254 = tpu.memref_slice %arg6[%dma_start3A_251, %dma_start3A_252, %dma_start3A_253] : memref<4x256x64xf32, #tpu.memory_space<vmem>> -> memref<1x128x64xf32, #tpu.memory_space<vmem>>
      %dma_start3A_255 = tpu.memref_squeeze %dma_start3A_254 : memref<1x128x64xf32, #tpu.memory_space<vmem>> -> memref<128x64xf32, #tpu.memory_space<vmem>>
      %dma_start3A_256 = arith.constant 0 : i32
      %dma_start3A_257 = tpu.memref_slice %arg5[%add3A_239, %dma_start3A_256] : memref<200x128xi32, #tpu.memory_space<vmem>> -> memref<1x128xi32, #tpu.memory_space<vmem>>
      %dma_start3A_258 = tpu.memref_squeeze %dma_start3A_257 : memref<1x128xi32, #tpu.memory_space<vmem>> -> memref<128xi32, #tpu.memory_space<vmem>>
      %dma_start3A_259 = arith.constant 0 : i32
      %dma_start3A_260 = arith.constant 0 : i32
      %dma_start3A_261 = tpu.memref_slice %arg3[%dma_start3A_259, %dma_start3A_260] : memref<100000x64xf32, #tpu.memory_space<hbm>> -> memref<100000x64xf32, #tpu.memory_space<hbm>>
      tpu.enqueue_indirect_dma source(%dma_start3A_261 : memref<100000x64xf32, #tpu.memory_space<hbm>>) target(%dma_start3A_255 : memref<128x64xf32, #tpu.memory_space<vmem>>) offsets(%dma_start3A_258 : memref<128xi32, #tpu.memory_space<vmem>>) semaphore(%arg10 : memref<!tpu.dma_semaphore, #tpu.memory_space<semaphore_mem>>)
      %mul3A_262 = arith.constant 4 : i32
      %mul3A_263 = arith.muli %mul3A_262, %scan3A_90 : i32
      %add3A_264 = arith.constant 2 : i32
      %add3A_265 = arith.addi %mul3A_263, %add3A_264 : i32
      %mul3A_266 = arith.constant 2 : i32
      %mul3A_267 = arith.muli %add3A_265, %mul3A_266 : i32
      %add3A_268 = arith.constant 0 : i32
      %add3A_269 = arith.addi %mul3A_267, %add3A_268 : i32
      %mul3A_270 = arith.constant 2 : i32
      %mul3A_271 = arith.muli %add3A_265, %mul3A_270 : i32
      %add3A_272 = arith.constant 1 : i32
      %add3A_273 = arith.addi %mul3A_271, %add3A_272 : i32
      %dma_wait3A_274 = arith.constant 2 : i32
      %dma_wait3A_275 = arith.constant 0 : i32
      %dma_wait3A_276 = arith.constant 0 : i32
      %dma_wait3A_277 = tpu.memref_slice %arg6[%dma_wait3A_274, %dma_wait3A_275, %dma_wait3A_276] : memref<4x256x64xf32, #tpu.memory_space<vmem>> -> memref<1x128x64xf32, #tpu.memory_space<vmem>>
      %dma_wait3A_278 = tpu.memref_squeeze %dma_wait3A_277 : memref<1x128x64xf32, #tpu.memory_space<vmem>> -> memref<128x64xf32, #tpu.memory_space<vmem>>
      %dma_wait3A_279 = arith.constant 0 : i32
      %dma_wait3A_280 = tpu.memref_slice %arg5[%add3A_269, %dma_wait3A_279] : memref<200x128xi32, #tpu.memory_space<vmem>> -> memref<1x128xi32, #tpu.memory_space<vmem>>
      %dma_wait3A_281 = tpu.memref_squeeze %dma_wait3A_280 : memref<1x128xi32, #tpu.memory_space<vmem>> -> memref<128xi32, #tpu.memory_space<vmem>>
      %dma_wait3A_282 = arith.constant 0 : i32
      %dma_wait3A_283 = arith.constant 0 : i32
      %dma_wait3A_284 = tpu.memref_slice %arg3[%dma_wait3A_282, %dma_wait3A_283] : memref<100000x64xf32, #tpu.memory_space<hbm>> -> memref<100000x64xf32, #tpu.memory_space<hbm>>
      tpu.wait_indirect_dma semaphore(%arg9 : memref<!tpu.dma_semaphore, #tpu.memory_space<semaphore_mem>>) src(%dma_wait3A_284 : memref<100000x64xf32, #tpu.memory_space<hbm>>) dst(%dma_wait3A_278 : memref<128x64xf32, #tpu.memory_space<vmem>>)
      %dma_wait3A_285 = arith.constant 2 : i32
      %dma_wait3A_286 = arith.constant 128 : i32
      %dma_wait3A_287 = arith.constant 0 : i32
      %dma_wait3A_288 = tpu.memref_slice %arg6[%dma_wait3A_285, %dma_wait3A_286, %dma_wait3A_287] : memref<4x256x64xf32, #tpu.memory_space<vmem>> -> memref<1x128x64xf32, #tpu.memory_space<vmem>>
      %dma_wait3A_289 = tpu.memref_squeeze %dma_wait3A_288 : memref<1x128x64xf32, #tpu.memory_space<vmem>> -> memref<128x64xf32, #tpu.memory_space<vmem>>
      %dma_wait3A_290 = arith.constant 0 : i32
      %dma_wait3A_291 = tpu.memref_slice %arg5[%add3A_273, %dma_wait3A_290] : memref<200x128xi32, #tpu.memory_space<vmem>> -> memref<1x128xi32, #tpu.memory_space<vmem>>
      %dma_wait3A_292 = tpu.memref_squeeze %dma_wait3A_291 : memref<1x128xi32, #tpu.memory_space<vmem>> -> memref<128xi32, #tpu.memory_space<vmem>>
      %dma_wait3A_293 = arith.constant 0 : i32
      %dma_wait3A_294 = arith.constant 0 : i32
      %dma_wait3A_295 = tpu.memref_slice %arg3[%dma_wait3A_293, %dma_wait3A_294] : memref<100000x64xf32, #tpu.memory_space<hbm>> -> memref<100000x64xf32, #tpu.memory_space<hbm>>
      tpu.wait_indirect_dma semaphore(%arg9 : memref<!tpu.dma_semaphore, #tpu.memory_space<semaphore_mem>>) src(%dma_wait3A_295 : memref<100000x64xf32, #tpu.memory_space<hbm>>) dst(%dma_wait3A_289 : memref<128x64xf32, #tpu.memory_space<vmem>>)
      %add3A_296 = arith.addi %mul3A_2, %add3A_265 : i32
      %mul3A_297 = arith.constant 256 : i32
      %mul3A_298 = arith.muli %add3A_296, %mul3A_297 : i32
      %dma_start3A_299 = arith.constant 2 : i32
      %dma_start3A_300 = arith.constant 0 : i32
      %dma_start3A_301 = arith.constant 0 : i32
      %dma_start3A_302 = tpu.memref_slice %arg6[%dma_start3A_299, %dma_start3A_300, %dma_start3A_301] : memref<4x256x64xf32, #tpu.memory_space<vmem>> -> memref<1x256x64xf32, #tpu.memory_space<vmem>>
      %dma_start3A_303 = tpu.memref_squeeze %dma_start3A_302 : memref<1x256x64xf32, #tpu.memory_space<vmem>> -> memref<256x64xf32, #tpu.memory_space<vmem>>
      %dma_start3A_304 = arith.constant 0 : i32
      %dma_start3A_305 = tpu.memref_slice %arg4[%mul3A_298, %dma_start3A_304] : memref<819200x64xf32, #tpu.memory_space<hbm>> -> memref<256x64xf32, #tpu.memory_space<hbm>>
      %dma_start3A_306 = arith.constant 0 : i32
      %dma_start3A_307 = tpu.memref_slice %arg4[%mul3A_298, %dma_start3A_306] : memref<819200x64xf32, #tpu.memory_space<hbm>> -> memref<256x64xf32, #tpu.memory_space<hbm>>
      %dma_start3A_308 = arith.constant 0 : i32
      %dma_start3A_309 = arith.constant 0 : i32
      %dma_start3A_310 = tpu.memref_slice %arg6[%dma_start3A_299, %dma_start3A_308, %dma_start3A_309] : memref<4x256x64xf32, #tpu.memory_space<vmem>> -> memref<1x256x64xf32, #tpu.memory_space<vmem>>
      %dma_start3A_311 = tpu.memref_squeeze %dma_start3A_310 : memref<1x256x64xf32, #tpu.memory_space<vmem>> -> memref<256x64xf32, #tpu.memory_space<vmem>>
      tpu.enqueue_dma source(%dma_start3A_311 : memref<256x64xf32, #tpu.memory_space<vmem>>) target(%dma_start3A_307 : memref<256x64xf32, #tpu.memory_space<hbm>>) target_semaphore(%arg13 : memref<!tpu.dma_semaphore, #tpu.memory_space<semaphore_mem>>)
      %sub3A = arith.constant 2 : i32
      %sub3A_312 = arith.subi %add3A_265, %sub3A : i32
      %add3A_313 = arith.addi %mul3A_2, %sub3A_312 : i32
      %mul3A_314 = arith.constant 256 : i32
      %mul3A_315 = arith.muli %add3A_313, %mul3A_314 : i32
      %dma_wait3A_316 = arith.constant 0 : i32
      %dma_wait3A_317 = arith.constant 0 : i32
      %dma_wait3A_318 = arith.constant 0 : i32
      %dma_wait3A_319 = tpu.memref_slice %arg6[%dma_wait3A_316, %dma_wait3A_317, %dma_wait3A_318] : memref<4x256x64xf32, #tpu.memory_space<vmem>> -> memref<1x256x64xf32, #tpu.memory_space<vmem>>
      %dma_wait3A_320 = tpu.memref_squeeze %dma_wait3A_319 : memref<1x256x64xf32, #tpu.memory_space<vmem>> -> memref<256x64xf32, #tpu.memory_space<vmem>>
      %dma_wait3A_321 = arith.constant 0 : i32
      %dma_wait3A_322 = tpu.memref_slice %arg4[%mul3A_315, %dma_wait3A_321] : memref<819200x64xf32, #tpu.memory_space<hbm>> -> memref<256x64xf32, #tpu.memory_space<hbm>>
      %dma_wait3A_323 = arith.constant 0 : i32
      %dma_wait3A_324 = tpu.memref_slice %arg4[%mul3A_315, %dma_wait3A_323] : memref<819200x64xf32, #tpu.memory_space<hbm>> -> memref<256x64xf32, #tpu.memory_space<hbm>>
      %dma_wait3A_325 = arith.constant 0 : i32
      %dma_wait3A_326 = arith.constant 0 : i32
      %dma_wait3A_327 = tpu.memref_slice %arg6[%dma_wait3A_316, %dma_wait3A_325, %dma_wait3A_326] : memref<4x256x64xf32, #tpu.memory_space<vmem>> -> memref<1x256x64xf32, #tpu.memory_space<vmem>>
      %dma_wait3A_328 = tpu.memref_squeeze %dma_wait3A_327 : memref<1x256x64xf32, #tpu.memory_space<vmem>> -> memref<256x64xf32, #tpu.memory_space<vmem>>
      tpu.wait_dma2 semaphore(%arg11 : memref<!tpu.dma_semaphore, #tpu.memory_space<semaphore_mem>>) src(%dma_wait3A_328 : memref<256x64xf32, #tpu.memory_space<vmem>>) dst(%dma_wait3A_324 : memref<256x64xf32, #tpu.memory_space<hbm>>)
      %lt3A = arith.constant 24 : i32
      %lt3A_329 = arith.cmpi slt, %scan3A_90, %lt3A : i32
      %convert_element_type3A_330 = arith.extui %lt3A_329 : i1 to i32
      %cond3A_331 = arith.constant 0 : i32
      %cond3A_332 = arith.cmpi ne, %convert_element_type3A_330, %cond3A_331 : i32
      scf.if %cond3A_332 {
        %add3A_406 = arith.constant 2 : i32
        %add3A_407 = arith.addi %add3A_265, %add3A_406 : i32
        %mul3A_408 = arith.constant 2 : i32
        %mul3A_409 = arith.muli %add3A_407, %mul3A_408 : i32
        %add3A_410 = arith.constant 0 : i32
        %add3A_411 = arith.addi %mul3A_409, %add3A_410 : i32
        %mul3A_412 = arith.constant 2 : i32
        %mul3A_413 = arith.muli %add3A_407, %mul3A_412 : i32
        %add3A_414 = arith.constant 1 : i32
        %add3A_415 = arith.addi %mul3A_413, %add3A_414 : i32
        %dma_start3A_416 = arith.constant 0 : i32
        %dma_start3A_417 = arith.constant 0 : i32
        %dma_start3A_418 = arith.constant 0 : i32
        %dma_start3A_419 = tpu.memref_slice %arg6[%dma_start3A_416, %dma_start3A_417, %dma_start3A_418] : memref<4x256x64xf32, #tpu.memory_space<vmem>> -> memref<1x128x64xf32, #tpu.memory_space<vmem>>
        %dma_start3A_420 = tpu.memref_squeeze %dma_start3A_419 : memref<1x128x64xf32, #tpu.memory_space<vmem>> -> memref<128x64xf32, #tpu.memory_space<vmem>>
        %dma_start3A_421 = arith.constant 0 : i32
        %dma_start3A_422 = tpu.memref_slice %arg5[%add3A_411, %dma_start3A_421] : memref<200x128xi32, #tpu.memory_space<vmem>> -> memref<1x128xi32, #tpu.memory_space<vmem>>
        %dma_start3A_423 = tpu.memref_squeeze %dma_start3A_422 : memref<1x128xi32, #tpu.memory_space<vmem>> -> memref<128xi32, #tpu.memory_space<vmem>>
        %dma_start3A_424 = arith.constant 0 : i32
        %dma_start3A_425 = arith.constant 0 : i32
        %dma_start3A_426 = tpu.memref_slice %arg3[%dma_start3A_424, %dma_start3A_425] : memref<100000x64xf32, #tpu.memory_space<hbm>> -> memref<100000x64xf32, #tpu.memory_space<hbm>>
        tpu.enqueue_indirect_dma source(%dma_start3A_426 : memref<100000x64xf32, #tpu.memory_space<hbm>>) target(%dma_start3A_420 : memref<128x64xf32, #tpu.memory_space<vmem>>) offsets(%dma_start3A_423 : memref<128xi32, #tpu.memory_space<vmem>>) semaphore(%arg7 : memref<!tpu.dma_semaphore, #tpu.memory_space<semaphore_mem>>)
        %dma_start3A_427 = arith.constant 0 : i32
        %dma_start3A_428 = arith.constant 128 : i32
        %dma_start3A_429 = arith.constant 0 : i32
        %dma_start3A_430 = tpu.memref_slice %arg6[%dma_start3A_427, %dma_start3A_428, %dma_start3A_429] : memref<4x256x64xf32, #tpu.memory_space<vmem>> -> memref<1x128x64xf32, #tpu.memory_space<vmem>>
        %dma_start3A_431 = tpu.memref_squeeze %dma_start3A_430 : memref<1x128x64xf32, #tpu.memory_space<vmem>> -> memref<128x64xf32, #tpu.memory_space<vmem>>
        %dma_start3A_432 = arith.constant 0 : i32
        %dma_start3A_433 = tpu.memref_slice %arg5[%add3A_415, %dma_start3A_432] : memref<200x128xi32, #tpu.memory_space<vmem>> -> memref<1x128xi32, #tpu.memory_space<vmem>>
        %dma_start3A_434 = tpu.memref_squeeze %dma_start3A_433 : memref<1x128xi32, #tpu.memory_space<vmem>> -> memref<128xi32, #tpu.memory_space<vmem>>
        %dma_start3A_435 = arith.constant 0 : i32
        %dma_start3A_436 = arith.constant 0 : i32
        %dma_start3A_437 = tpu.memref_slice %arg3[%dma_start3A_435, %dma_start3A_436] : memref<100000x64xf32, #tpu.memory_space<hbm>> -> memref<100000x64xf32, #tpu.memory_space<hbm>>
        tpu.enqueue_indirect_dma source(%dma_start3A_437 : memref<100000x64xf32, #tpu.memory_space<hbm>>) target(%dma_start3A_431 : memref<128x64xf32, #tpu.memory_space<vmem>>) offsets(%dma_start3A_434 : memref<128xi32, #tpu.memory_space<vmem>>) semaphore(%arg7 : memref<!tpu.dma_semaphore, #tpu.memory_space<semaphore_mem>>)
      } else {
      }
      %mul3A_333 = arith.constant 4 : i32
      %mul3A_334 = arith.muli %mul3A_333, %scan3A_90 : i32
      %add3A_335 = arith.constant 3 : i32
      %add3A_336 = arith.addi %mul3A_334, %add3A_335 : i32
      %mul3A_337 = arith.constant 2 : i32
      %mul3A_338 = arith.muli %add3A_336, %mul3A_337 : i32
      %add3A_339 = arith.constant 0 : i32
      %add3A_340 = arith.addi %mul3A_338, %add3A_339 : i32
      %mul3A_341 = arith.constant 2 : i32
      %mul3A_342 = arith.muli %add3A_336, %mul3A_341 : i32
      %add3A_343 = arith.constant 1 : i32
      %add3A_344 = arith.addi %mul3A_342, %add3A_343 : i32
      %dma_wait3A_345 = arith.constant 3 : i32
      %dma_wait3A_346 = arith.constant 0 : i32
      %dma_wait3A_347 = arith.constant 0 : i32
      %dma_wait3A_348 = tpu.memref_slice %arg6[%dma_wait3A_345, %dma_wait3A_346, %dma_wait3A_347] : memref<4x256x64xf32, #tpu.memory_space<vmem>> -> memref<1x128x64xf32, #tpu.memory_space<vmem>>
      %dma_wait3A_349 = tpu.memref_squeeze %dma_wait3A_348 : memref<1x128x64xf32, #tpu.memory_space<vmem>> -> memref<128x64xf32, #tpu.memory_space<vmem>>
      %dma_wait3A_350 = arith.constant 0 : i32
      %dma_wait3A_351 = tpu.memref_slice %arg5[%add3A_340, %dma_wait3A_350] : memref<200x128xi32, #tpu.memory_space<vmem>> -> memref<1x128xi32, #tpu.memory_space<vmem>>
      %dma_wait3A_352 = tpu.memref_squeeze %dma_wait3A_351 : memref<1x128xi32, #tpu.memory_space<vmem>> -> memref<128xi32, #tpu.memory_space<vmem>>
      %dma_wait3A_353 = arith.constant 0 : i32
      %dma_wait3A_354 = arith.constant 0 : i32
      %dma_wait3A_355 = tpu.memref_slice %arg3[%dma_wait3A_353, %dma_wait3A_354] : memref<100000x64xf32, #tpu.memory_space<hbm>> -> memref<100000x64xf32, #tpu.memory_space<hbm>>
      tpu.wait_indirect_dma semaphore(%arg10 : memref<!tpu.dma_semaphore, #tpu.memory_space<semaphore_mem>>) src(%dma_wait3A_355 : memref<100000x64xf32, #tpu.memory_space<hbm>>) dst(%dma_wait3A_349 : memref<128x64xf32, #tpu.memory_space<vmem>>)
      %dma_wait3A_356 = arith.constant 3 : i32
      %dma_wait3A_357 = arith.constant 128 : i32
      %dma_wait3A_358 = arith.constant 0 : i32
      %dma_wait3A_359 = tpu.memref_slice %arg6[%dma_wait3A_356, %dma_wait3A_357, %dma_wait3A_358] : memref<4x256x64xf32, #tpu.memory_space<vmem>> -> memref<1x128x64xf32, #tpu.memory_space<vmem>>
      %dma_wait3A_360 = tpu.memref_squeeze %dma_wait3A_359 : memref<1x128x64xf32, #tpu.memory_space<vmem>> -> memref<128x64xf32, #tpu.memory_space<vmem>>
      %dma_wait3A_361 = arith.constant 0 : i32
      %dma_wait3A_362 = tpu.memref_slice %arg5[%add3A_344, %dma_wait3A_361] : memref<200x128xi32, #tpu.memory_space<vmem>> -> memref<1x128xi32, #tpu.memory_space<vmem>>
      %dma_wait3A_363 = tpu.memref_squeeze %dma_wait3A_362 : memref<1x128xi32, #tpu.memory_space<vmem>> -> memref<128xi32, #tpu.memory_space<vmem>>
      %dma_wait3A_364 = arith.constant 0 : i32
      %dma_wait3A_365 = arith.constant 0 : i32
      %dma_wait3A_366 = tpu.memref_slice %arg3[%dma_wait3A_364, %dma_wait3A_365] : memref<100000x64xf32, #tpu.memory_space<hbm>> -> memref<100000x64xf32, #tpu.memory_space<hbm>>
      tpu.wait_indirect_dma semaphore(%arg10 : memref<!tpu.dma_semaphore, #tpu.memory_space<semaphore_mem>>) src(%dma_wait3A_366 : memref<100000x64xf32, #tpu.memory_space<hbm>>) dst(%dma_wait3A_360 : memref<128x64xf32, #tpu.memory_space<vmem>>)
      %add3A_367 = arith.addi %mul3A_2, %add3A_336 : i32
      %mul3A_368 = arith.constant 256 : i32
      %mul3A_369 = arith.muli %add3A_367, %mul3A_368 : i32
      %dma_start3A_370 = arith.constant 3 : i32
      %dma_start3A_371 = arith.constant 0 : i32
      %dma_start3A_372 = arith.constant 0 : i32
      %dma_start3A_373 = tpu.memref_slice %arg6[%dma_start3A_370, %dma_start3A_371, %dma_start3A_372] : memref<4x256x64xf32, #tpu.memory_space<vmem>> -> memref<1x256x64xf32, #tpu.memory_space<vmem>>
      %dma_start3A_374 = tpu.memref_squeeze %dma_start3A_373 : memref<1x256x64xf32, #tpu.memory_space<vmem>> -> memref<256x64xf32, #tpu.memory_space<vmem>>
      %dma_start3A_375 = arith.constant 0 : i32
      %dma_start3A_376 = tpu.memref_slice %arg4[%mul3A_369, %dma_start3A_375] : memref<819200x64xf32, #tpu.memory_space<hbm>> -> memref<256x64xf32, #tpu.memory_space<hbm>>
      %dma_start3A_377 = arith.constant 0 : i32
      %dma_start3A_378 = tpu.memref_slice %arg4[%mul3A_369, %dma_start3A_377] : memref<819200x64xf32, #tpu.memory_space<hbm>> -> memref<256x64xf32, #tpu.memory_space<hbm>>
      %dma_start3A_379 = arith.constant 0 : i32
      %dma_start3A_380 = arith.constant 0 : i32
      %dma_start3A_381 = tpu.memref_slice %arg6[%dma_start3A_370, %dma_start3A_379, %dma_start3A_380] : memref<4x256x64xf32, #tpu.memory_space<vmem>> -> memref<1x256x64xf32, #tpu.memory_space<vmem>>
      %dma_start3A_382 = tpu.memref_squeeze %dma_start3A_381 : memref<1x256x64xf32, #tpu.memory_space<vmem>> -> memref<256x64xf32, #tpu.memory_space<vmem>>
      tpu.enqueue_dma source(%dma_start3A_382 : memref<256x64xf32, #tpu.memory_space<vmem>>) target(%dma_start3A_378 : memref<256x64xf32, #tpu.memory_space<hbm>>) target_semaphore(%arg14 : memref<!tpu.dma_semaphore, #tpu.memory_space<semaphore_mem>>)
      %sub3A_383 = arith.constant 2 : i32
      %sub3A_384 = arith.subi %add3A_336, %sub3A_383 : i32
      %add3A_385 = arith.addi %mul3A_2, %sub3A_384 : i32
      %mul3A_386 = arith.constant 256 : i32
      %mul3A_387 = arith.muli %add3A_385, %mul3A_386 : i32
      %dma_wait3A_388 = arith.constant 1 : i32
      %dma_wait3A_389 = arith.constant 0 : i32
      %dma_wait3A_390 = arith.constant 0 : i32
      %dma_wait3A_391 = tpu.memref_slice %arg6[%dma_wait3A_388, %dma_wait3A_389, %dma_wait3A_390] : memref<4x256x64xf32, #tpu.memory_space<vmem>> -> memref<1x256x64xf32, #tpu.memory_space<vmem>>
      %dma_wait3A_392 = tpu.memref_squeeze %dma_wait3A_391 : memref<1x256x64xf32, #tpu.memory_space<vmem>> -> memref<256x64xf32, #tpu.memory_space<vmem>>
      %dma_wait3A_393 = arith.constant 0 : i32
      %dma_wait3A_394 = tpu.memref_slice %arg4[%mul3A_387, %dma_wait3A_393] : memref<819200x64xf32, #tpu.memory_space<hbm>> -> memref<256x64xf32, #tpu.memory_space<hbm>>
      %dma_wait3A_395 = arith.constant 0 : i32
      %dma_wait3A_396 = tpu.memref_slice %arg4[%mul3A_387, %dma_wait3A_395] : memref<819200x64xf32, #tpu.memory_space<hbm>> -> memref<256x64xf32, #tpu.memory_space<hbm>>
      %dma_wait3A_397 = arith.constant 0 : i32
      %dma_wait3A_398 = arith.constant 0 : i32
      %dma_wait3A_399 = tpu.memref_slice %arg6[%dma_wait3A_388, %dma_wait3A_397, %dma_wait3A_398] : memref<4x256x64xf32, #tpu.memory_space<vmem>> -> memref<1x256x64xf32, #tpu.memory_space<vmem>>
      %dma_wait3A_400 = tpu.memref_squeeze %dma_wait3A_399 : memref<1x256x64xf32, #tpu.memory_space<vmem>> -> memref<256x64xf32, #tpu.memory_space<vmem>>
      tpu.wait_dma2 semaphore(%arg12 : memref<!tpu.dma_semaphore, #tpu.memory_space<semaphore_mem>>) src(%dma_wait3A_400 : memref<256x64xf32, #tpu.memory_space<vmem>>) dst(%dma_wait3A_396 : memref<256x64xf32, #tpu.memory_space<hbm>>)
      %lt3A_401 = arith.constant 24 : i32
      %lt3A_402 = arith.cmpi slt, %scan3A_90, %lt3A_401 : i32
      %convert_element_type3A_403 = arith.extui %lt3A_402 : i1 to i32
      %cond3A_404 = arith.constant 0 : i32
      %cond3A_405 = arith.cmpi ne, %convert_element_type3A_403, %cond3A_404 : i32
      scf.if %cond3A_405 {
        %add3A_406 = arith.constant 2 : i32
        %add3A_407 = arith.addi %add3A_336, %add3A_406 : i32
        %mul3A_408 = arith.constant 2 : i32
        %mul3A_409 = arith.muli %add3A_407, %mul3A_408 : i32
        %add3A_410 = arith.constant 0 : i32
        %add3A_411 = arith.addi %mul3A_409, %add3A_410 : i32
        %mul3A_412 = arith.constant 2 : i32
        %mul3A_413 = arith.muli %add3A_407, %mul3A_412 : i32
        %add3A_414 = arith.constant 1 : i32
        %add3A_415 = arith.addi %mul3A_413, %add3A_414 : i32
        %dma_start3A_416 = arith.constant 1 : i32
        %dma_start3A_417 = arith.constant 0 : i32
        %dma_start3A_418 = arith.constant 0 : i32
        %dma_start3A_419 = tpu.memref_slice %arg6[%dma_start3A_416, %dma_start3A_417, %dma_start3A_418] : memref<4x256x64xf32, #tpu.memory_space<vmem>> -> memref<1x128x64xf32, #tpu.memory_space<vmem>>
        %dma_start3A_420 = tpu.memref_squeeze %dma_start3A_419 : memref<1x128x64xf32, #tpu.memory_space<vmem>> -> memref<128x64xf32, #tpu.memory_space<vmem>>
        %dma_start3A_421 = arith.constant 0 : i32
        %dma_start3A_422 = tpu.memref_slice %arg5[%add3A_411, %dma_start3A_421] : memref<200x128xi32, #tpu.memory_space<vmem>> -> memref<1x128xi32, #tpu.memory_space<vmem>>
        %dma_start3A_423 = tpu.memref_squeeze %dma_start3A_422 : memref<1x128xi32, #tpu.memory_space<vmem>> -> memref<128xi32, #tpu.memory_space<vmem>>
        %dma_start3A_424 = arith.constant 0 : i32
        %dma_start3A_425 = arith.constant 0 : i32
        %dma_start3A_426 = tpu.memref_slice %arg3[%dma_start3A_424, %dma_start3A_425] : memref<100000x64xf32, #tpu.memory_space<hbm>> -> memref<100000x64xf32, #tpu.memory_space<hbm>>
        tpu.enqueue_indirect_dma source(%dma_start3A_426 : memref<100000x64xf32, #tpu.memory_space<hbm>>) target(%dma_start3A_420 : memref<128x64xf32, #tpu.memory_space<vmem>>) offsets(%dma_start3A_423 : memref<128xi32, #tpu.memory_space<vmem>>) semaphore(%arg8 : memref<!tpu.dma_semaphore, #tpu.memory_space<semaphore_mem>>)
        %dma_start3A_427 = arith.constant 1 : i32
        %dma_start3A_428 = arith.constant 128 : i32
        %dma_start3A_429 = arith.constant 0 : i32
        %dma_start3A_430 = tpu.memref_slice %arg6[%dma_start3A_427, %dma_start3A_428, %dma_start3A_429] : memref<4x256x64xf32, #tpu.memory_space<vmem>> -> memref<1x128x64xf32, #tpu.memory_space<vmem>>
        %dma_start3A_431 = tpu.memref_squeeze %dma_start3A_430 : memref<1x128x64xf32, #tpu.memory_space<vmem>> -> memref<128x64xf32, #tpu.memory_space<vmem>>
        %dma_start3A_432 = arith.constant 0 : i32
        %dma_start3A_433 = tpu.memref_slice %arg5[%add3A_415, %dma_start3A_432] : memref<200x128xi32, #tpu.memory_space<vmem>> -> memref<1x128xi32, #tpu.memory_space<vmem>>
        %dma_start3A_434 = tpu.memref_squeeze %dma_start3A_433 : memref<1x128xi32, #tpu.memory_space<vmem>> -> memref<128xi32, #tpu.memory_space<vmem>>
        %dma_start3A_435 = arith.constant 0 : i32
        %dma_start3A_436 = arith.constant 0 : i32
        %dma_start3A_437 = tpu.memref_slice %arg3[%dma_start3A_435, %dma_start3A_436] : memref<100000x64xf32, #tpu.memory_space<hbm>> -> memref<100000x64xf32, #tpu.memory_space<hbm>>
        tpu.enqueue_indirect_dma source(%dma_start3A_437 : memref<100000x64xf32, #tpu.memory_space<hbm>>) target(%dma_start3A_431 : memref<128x64xf32, #tpu.memory_space<vmem>>) offsets(%dma_start3A_434 : memref<128xi32, #tpu.memory_space<vmem>>) semaphore(%arg8 : memref<!tpu.dma_semaphore, #tpu.memory_space<semaphore_mem>>)
      } else {
      }
    }
    %scan3A_56 = arith.constant 25 : i32
    %add3A_57 = arith.constant 98 : i32
    %add3A_58 = arith.addi %mul3A_2, %add3A_57 : i32
    %mul3A_59 = arith.constant 256 : i32
    %mul3A_60 = arith.muli %add3A_58, %mul3A_59 : i32
    %dma_wait3A = arith.constant 2 : i32
    %dma_wait3A_61 = arith.constant 0 : i32
    %dma_wait3A_62 = arith.constant 0 : i32
    %dma_wait3A_63 = tpu.memref_slice %arg6[%dma_wait3A, %dma_wait3A_61, %dma_wait3A_62] : memref<4x256x64xf32, #tpu.memory_space<vmem>> -> memref<1x256x64xf32, #tpu.memory_space<vmem>>
    %dma_wait3A_64 = tpu.memref_squeeze %dma_wait3A_63 : memref<1x256x64xf32, #tpu.memory_space<vmem>> -> memref<256x64xf32, #tpu.memory_space<vmem>>
    %dma_wait3A_65 = arith.constant 0 : i32
    %dma_wait3A_66 = tpu.memref_slice %arg4[%mul3A_60, %dma_wait3A_65] : memref<819200x64xf32, #tpu.memory_space<hbm>> -> memref<256x64xf32, #tpu.memory_space<hbm>>
    %dma_wait3A_67 = arith.constant 0 : i32
    %dma_wait3A_68 = tpu.memref_slice %arg4[%mul3A_60, %dma_wait3A_67] : memref<819200x64xf32, #tpu.memory_space<hbm>> -> memref<256x64xf32, #tpu.memory_space<hbm>>
    %dma_wait3A_69 = arith.constant 0 : i32
    %dma_wait3A_70 = arith.constant 0 : i32
    %dma_wait3A_71 = tpu.memref_slice %arg6[%dma_wait3A, %dma_wait3A_69, %dma_wait3A_70] : memref<4x256x64xf32, #tpu.memory_space<vmem>> -> memref<1x256x64xf32, #tpu.memory_space<vmem>>
    %dma_wait3A_72 = tpu.memref_squeeze %dma_wait3A_71 : memref<1x256x64xf32, #tpu.memory_space<vmem>> -> memref<256x64xf32, #tpu.memory_space<vmem>>
    tpu.wait_dma2 semaphore(%arg13 : memref<!tpu.dma_semaphore, #tpu.memory_space<semaphore_mem>>) src(%dma_wait3A_72 : memref<256x64xf32, #tpu.memory_space<vmem>>) dst(%dma_wait3A_68 : memref<256x64xf32, #tpu.memory_space<hbm>>)
    %add3A_73 = arith.constant 99 : i32
    %add3A_74 = arith.addi %mul3A_2, %add3A_73 : i32
    %mul3A_75 = arith.constant 256 : i32
    %mul3A_76 = arith.muli %add3A_74, %mul3A_75 : i32
    %dma_wait3A_77 = arith.constant 3 : i32
    %dma_wait3A_78 = arith.constant 0 : i32
    %dma_wait3A_79 = arith.constant 0 : i32
    %dma_wait3A_80 = tpu.memref_slice %arg6[%dma_wait3A_77, %dma_wait3A_78, %dma_wait3A_79] : memref<4x256x64xf32, #tpu.memory_space<vmem>> -> memref<1x256x64xf32, #tpu.memory_space<vmem>>
    %dma_wait3A_81 = tpu.memref_squeeze %dma_wait3A_80 : memref<1x256x64xf32, #tpu.memory_space<vmem>> -> memref<256x64xf32, #tpu.memory_space<vmem>>
    %dma_wait3A_82 = arith.constant 0 : i32
    %dma_wait3A_83 = tpu.memref_slice %arg4[%mul3A_76, %dma_wait3A_82] : memref<819200x64xf32, #tpu.memory_space<hbm>> -> memref<256x64xf32, #tpu.memory_space<hbm>>
    %dma_wait3A_84 = arith.constant 0 : i32
    %dma_wait3A_85 = tpu.memref_slice %arg4[%mul3A_76, %dma_wait3A_84] : memref<819200x64xf32, #tpu.memory_space<hbm>> -> memref<256x64xf32, #tpu.memory_space<hbm>>
    %dma_wait3A_86 = arith.constant 0 : i32
    %dma_wait3A_87 = arith.constant 0 : i32
    %dma_wait3A_88 = tpu.memref_slice %arg6[%dma_wait3A_77, %dma_wait3A_86, %dma_wait3A_87] : memref<4x256x64xf32, #tpu.memory_space<vmem>> -> memref<1x256x64xf32, #tpu.memory_space<vmem>>
    %dma_wait3A_89 = tpu.memref_squeeze %dma_wait3A_88 : memref<1x256x64xf32, #tpu.memory_space<vmem>> -> memref<256x64xf32, #tpu.memory_space<vmem>>
    tpu.wait_dma2 semaphore(%arg14 : memref<!tpu.dma_semaphore, #tpu.memory_space<semaphore_mem>>) src(%dma_wait3A_89 : memref<256x64xf32, #tpu.memory_space<vmem>>) dst(%dma_wait3A_85 : memref<256x64xf32, #tpu.memory_space<hbm>>)
    return
  }
}

</mosaic_0001>

<sc_bundles>
// kernel: kernel.3.cloned.1.call-start
scs
__scs_entry_jumppad:
0x0: {  	(pc) =	sbr.rel $0x88, $3  }
0x1: {  	(tag) =	ssettag $0x0;
	lr =	simm.s32 $0x1  }
0x2: {  	[smem:$0x3F9F] =	sst lr;
	_ =	strace $0xD0000000  }
0x3: {  	_ = 	snop  }
0x4: {  	_ = 	snop  }
0x5: {  	_ = 	snop  }
0x6: {  	_ = 	snop  }
0x7: {  	_ = 	snop  }
__scs_overlays_trampoline_lowered:
0x8: {  	[smem:$0x3FAE] =	sst s0  }
0x9: {  	[smem:$0x3FAF] =	sst s1  }
0xa: {  	[smem:$0x3FB0] =	sst s2  }
0xb: {  	[smem:$0x3FB1] =	sst s3  }
0xc: {  	[smem:$0x3FB2] =	sst s4  }
0xd: {  	[smem:$0x3FB3] =	sst s5  }
0xe: {  	[smem:$0x3FB4] =	sst s6  }
0xf: {  	[smem:$0x3FB5] =	sst s7  }
0x10: {  	[smem:$0x3FB6] =	sst s8  }
0x11: {  	[smem:$0x3FB7] =	sst s9;
	s0 =	simm.s32 @!p0 $0x0  }
0x12: {  	s1 =	sld [smem:$0x3F9D];
	s0 =	simm.s32 @p0 $0x1  }
0x13: {  	[smem:$0x3FB8] =	sst s0;
	s0 =	simm.s32 @!p1 $0x0  }
0x14: {  	s2 =	sld [smem:$0x3F9C];
	s0 =	simm.s32 @p1 $0x1  }
0x15: {  	[smem:$0x3FB9] =	sst s0;
	s0 =	simm.s32 @!p2 $0x0  }
0x16: {  	s3 =	sld [smem:$0x3FDB];
	s0 =	simm.s32 @p2 $0x1  }
0x17: {  	s4 =	simm.s32 $0x1BF5;
	[smem:$0x3FBB] =	sst s0  }
0x18: {  	s0 =	sld [smem:$0x3F9E];
	_ =	swait.ge [sflag:s4], $0x0  }
0x19: {  	s7 =	sld [smem:$0x3F9F]  }
0x1a: {  	s8 =	sadd.s32 $0xFFFFE003, lr  }
0x1b: {  	s9 =	sadd.s32 $0xFFFFFEF7, lr;
	s5 =	simm.s32 $0xFFFFFFFF;
	p2 =	slt.u32 s8, $0xFFFFF086  }
0x1c: {  	p1 =	slt.u32 s9, $0xF7A;
	s5 =	simm.s32 @!p2 $0x0  }
0x1d: {  	s5 =	simm.s32 @p1 $0x1;
	p0 =	seq.s32 s7, s2  }
0x1e: {  	s7 =	smul.u32 @!p0 $0xF7A, s2;
	p2 =	seq.s32 @!p0 s5, $0x0  }
0x1f: {  	s9 =	smul.u32 $0xF7A, s1;
	s8 =	simm.s32 @!p0 $0x1BF5;
	p2 =	por !p2, p0  }
0x20: {  	[sflag:s8] =	ssyncset.s32 @!p0 $0xFFFFF086;
	s6 =	sadd.s32 @!p0 s3, s7;
	s7 =	simm.s32 @!p0 $0x108  }
0x21: {  	s3 =	sadd.s32 s3, s9;
	s6 =	sadd.s32 @!p0 $0x88, s6;
	s7 =	simm.s32 @p2 $0x1082  }
0x22: {  	[simem:s7], [sflag:s8] =	dma.local @!p0 [hbm:s6], $0xF7A  }
0x23: {  	s9 =	sor.u32 $0xD0000000, s2;
	s6 =	simm.s32 $0x108;
	_ =	swait.ge @!p0 [sflag:s8], $0x0  }
0x24: {  	s3 =	sadd.s32 $0x88, s3;
	s6 =	simm.s32 @!p1 $0x1082;
	[sflag:s4] =	ssyncset.s32 $0xFFFFF086  }
0x25: {  	[simem:s6], [sflag:s4] =	dma.local [hbm:s3], $0xF7A  }
0x26: {  	[smem:$0x3F9F] =	sst s1;
	(tag) =	ssettag s2;
	_ =	strace s9  }
0x27: {  	s1 =	sld [smem:$0x3FAF]  }
0x28: {  	s2 =	sld [smem:$0x3FB0]  }
0x29: {  	s4 =	sld [smem:$0x3FB2]  }
0x2a: {  	p0 =	seq.s32 s5, $0x0;
	s5 =	sld [smem:$0x3FB3]  }
0x2b: {  	s6 =	sld [smem:$0x3FB4]  }
0x2c: {  	s7 =	sld [smem:$0x3FB5]  }
0x2d: {  	s3 =	simm.s32 $0x108;
	s8 =	sld [smem:$0x3FB6]  }
0x2e: {  	s3 =	simm.s32 @!p0 $0x1082;
	s9 =	sld [smem:$0x3FB7]  }
0x2f: {  	lr =	sadd.s32 s0, s3;
	s0 =	sld [smem:$0x3FAE]  }
0x30: {  	s3 =	sld [smem:$0x3FB1]  }
0x31: {  	[smem:$0x3FBA] =	sst s10  }
0x32: {  	s10 =	sld [smem:$0x3FB8];
	_ =	sdelay $0x3  }
0x33: {  	p0 =	seq.s32 s10, $0x1;
	s10 =	sld [smem:$0x3FBA];
	_ =	sdelay $0x3  }
0x34: {  	[smem:$0x3FBA] =	sst s10  }
0x35: {  	s10 =	sld [smem:$0x3FB9];
	_ =	sdelay $0x3  }
0x36: {  	p1 =	seq.s32 s10, $0x1;
	s10 =	sld [smem:$0x3FBA];
	_ =	sdelay $0x3  }
0x37: {  	[smem:$0x3FBA] =	sst s10  }
0x38: {  	s10 =	sld [smem:$0x3FBB]  }
0x39: {  	_ = 	snop;
	(pc) =	sbr.ind lr, $3  }
0x3a: {  	_ = 	snop  }
0x3b: {  	_ = 	snop  }
0x3c: {  	p2 =	seq.s32 s10, $0x1;
	s10 =	sld [smem:$0x3FBA]  }
0x3d: {  	_ =	shalt  }
0x3e: {  	_ =	shalt  }
0x3f: {  	_ =	shalt  }
0x40: {  	_ =	shalt  }
0x41: {  	_ =	shalt  }
0x42: {  	_ =	shalt  }
0x43: {  	_ =	shalt  }
0x44: {  	_ =	shalt  }
0x45: {  	_ =	shalt  }
0x46: {  	_ =	shalt  }
0x47: {  	_ =	shalt  }
0x48: {  	_ =	shalt  }
0x49: {  	_ =	shalt  }
0x4a: {  	_ =	shalt  }
0x4b: {  	_ =	shalt  }
0x4c: {  	_ =	shalt  }
0x4d: {  	_ =	shalt  }
0x4e: {  	_ =	shalt  }
0x4f: {  	_ =	shalt  }
0x50: {  	_ =	shalt  }
0x51: {  	_ =	shalt  }
0x52: {  	_ =	shalt  }
0x53: {  	_ =	shalt  }
0x54: {  	_ =	shalt  }
0x55: {  	_ =	shalt  }
0x56: {  	_ =	shalt  }
0x57: {  	_ =	shalt  }
0x58: {  	_ =	shalt  }
0x59: {  	_ =	shalt  }
0x5a: {  	_ =	shalt  }
0x5b: {  	_ =	shalt  }
0x5c: {  	_ =	shalt  }
0x5d: {  	_ =	shalt  }
0x5e: {  	_ =	shalt  }
0x5f: {  	_ =	shalt  }
0x60: {  	_ =	shalt  }
0x61: {  	_ =	shalt  }
0x62: {  	_ =	shalt  }
0x63: {  	_ =	shalt  }
0x64: {  	_ =	shalt  }
0x65: {  	_ =	shalt  }
0x66: {  	_ =	shalt  }
0x67: {  	_ =	shalt  }
0x68: {  	_ =	shalt  }
0x69: {  	_ =	shalt  }
0x6a: {  	_ =	shalt  }
0x6b: {  	_ =	shalt  }
0x6c: {  	_ =	shalt  }
0x6d: {  	_ =	shalt  }
0x6e: {  	_ =	shalt  }
0x6f: {  	_ =	shalt  }
0x70: {  	_ =	shalt  }
0x71: {  	_ =	shalt  }
0x72: {  	_ =	shalt  }
0x73: {  	_ =	shalt  }
0x74: {  	_ =	shalt  }
0x75: {  	_ =	shalt  }
0x76: {  	_ =	shalt  }
0x77: {  	_ =	shalt  }
0x78: {  	_ =	shalt  }
0x79: {  	_ =	shalt  }
0x7a: {  	_ =	shalt  }
0x7b: {  	_ =	shalt  }
0x7c: {  	_ =	shalt  }
0x7d: {  	_ =	shalt  }
0x7e: {  	_ =	shalt  }
0x7f: {  	_ =	shalt  }
0x80: {  	_ =	shalt  }
0x81: {  	_ =	shalt  }
0x82: {  	_ =	shalt  }
0x83: {  	_ =	shalt  }
0x84: {  	_ =	shalt  }
0x85: {  	_ =	shalt  }
0x86: {  	_ =	shalt  }
0x87: {  	_ =	shalt  }
.Lfunc_end0:
.L_simem_size_0:
called_computation.1_lowered:
.L_overlay_start_0:
0x88: {  	s2 =	sld [smem:$0x3FD9]  }
0x89: {  	s3 =	sld [smem:$0x3FFE];
	_ =	sdelay $0x1  }
0x8a: {  	s1 =	srdreg.scid  }
0x8b: {  	s0 =	sand.u32 $0x1, s1  }
0x8c: {  	s17 =	sshll.u32 s0, $0xA;
	s2 =	sadd.s32 s3, s2  }
0x8d: {  	s2 =	sadd.s32 s2, s17  }
0x8e: {  	[smem:$0x3FC6] =	sst s2  }
0x8f: {  	_ = 	snop  }
0x90: {  	s2 =	sld [smem:$0x3FC9]  }
0x91: {  	s18 =	sld [smem:$0x3FD0];
	(tm) =	ssettm $0x1  }
0x92: {  	s4 =	sld [smem:$0x3FFB];
	_ =	sdelay $0x3  }
0x93: {  	_ =	strace s4  }
0x94: {  	s4 =	sld [smem:$0x3FFC];
	_ =	sdelay $0x3  }
0x95: {  	_ =	strace s4  }
0x96: {  	s4 =	sld [smem:$0x3FFD];
	_ =	sdelay $0x3  }
0x97: {  	_ =	strace s4  }
0x98: {  	_ =	strace $0x8FFFFFFF  }
0x99: {  	s19 =	sld [smem:$0x3FDB];
	_ =	sdelay $0x1  }
0x9a: {  	s5 =	simm.s32 $_scs_section_size  }
0x9b: {  	s6 =	simm.s32 $_size__tile_overlayer_lowered;
	s7 =	simm.s32 $_tile_overlayer_lowered  }
0x9c: {  	s22 =	simm.s32 $0x1BFF;
	s21 =	sshll.u32 s7, $0x1;
	s4 =	sadd.s32 s5, s19  }
0x9d: {  	s8 =	simm.s32 $0x0;
	s20 =	sshll.u32 s6, $0x1;
	s6 =	sadd.s32 s21, s4  }
0x9e: {  	[timem:s8], [sflag:s22] =	dma.local [hbm:s6], s20  }
0x9f: {  	_ =	swait.ge [sflag:s22], s20  }
0xa0: {  	s5 =	ssub.s32 $0x0, s20;
	[sflag:s22] =	ssyncset.done $0x0  }
0xa1: {  	[sflag:s22] =	ssyncadd.s32 s5;
	_ =	sdelay $0x1  }
0xa2: {  	s23 =	simm.s32 $0x1B8B  }
0xa3: {  	_ =	swait.ge [sflag:s23], $0x1  }
0xa4: {  	[sflag:s23] =	ssyncset.done $0x0  }
0xa5: {  	s25 =	simm.s32 $0x1B8E;
	s24 =	sld [smem:$0x3FFE];
	[sflag:s23] =	ssyncadd.s32 $0xFFFFFFFF  }
0xa6: {  	s26 =	simm.s32 $execute0_lowered;
	[smem:$0x3FD2] =	sst s25  }
0xa7: {  	s6 =	sshll.u32 s26, $0x1;
	_ =	strace $0x80000046;
	[dreg:$0x1] =	wrdreg $0xFFFFFFFF  }
0xa8: {  	s28 =	simm.s32 $_size_execute0_lowered;
	s4 =	sadd.s32 s4, s6;
	[dreg:$0x0] =	wrdreg $0x0  }
0xa9: {  	s6 =	sshll.u32 s28, $0x1;
	[dreg:$0x2] =	wrdreg s4  }
0xaa: {  	[dreg:$0x3] =	wrdreg s6  }
0xab: {  	[dreg:$0x4] =	wrdreg $0xC0  }
0xac: {  	_ =	task [dreg:s8], $0x5FFFF  }
0xad: {  	[dreg:$0x1] =	wrdreg $0xFFFFFFFF  }
0xae: {  	[dreg:$0x0] =	wrdreg $0x60  }
0xaf: {  	[dreg:$0x2] =	wrdreg s2  }
0xb0: {  	[dreg:$0x3] =	wrdreg s24  }
0xb1: {  	[dreg:$0x4] =	wrdreg s18  }
0xb2: {  	[dreg:$0x5] =	wrdreg $0x9  }
0xb3: {  	_ =	task.clear_ibuf [dreg:s8], $0x6FFFF;
	_ =	strace $0x90000046  }
0xb4: {  	s29 =	simm.s32 $0x9;
	_ =	strace $0x80000048  }
0xb5: {  	_ =	swait.ge [sflag:s29], $0x1  }
0xb6: {  	[sflag:s29] =	ssyncadd.s32 $0xFFFFFFFF  }
0xb7: {  	_ =	strace $0x90000048  }
0xb8: {  	_ =	sfence  }
0xb9: {  	s30 =	sld [smem:$0x0];
	_ =	sdelay $0x2  }
0xba: {  	s31 =	sshll.u32 s1, $0xD;
	s1 =	sshrl.u32 s1, $0x2  }
0xbb: {  	s3 =	sand.u32 $0x4000, s31;
	s1 =	sadd.s32 s1, s30  }
0xbc: {  	s0 =	sor.u32 s3, s0;
	s1 =	sshll.u32 s1, $0x11  }
0xbd: {  	s0 =	sor.u32 s1, s0  }
0xbe: {  	s0 =	sadd.s32 $0x8F2B, s0  }
0xbf: {  	[sflag:s0] =	ssyncadd.remote.s32 $0x1  }
0xc0: {  	_ =	sfence.sel $0xFFFF  }
0xc1: {  	[dreg:$0x0] =	wrdreg $0xFFFFFFFF;
	(pc) =	sbr.abs _section_cstart, $3  }
0xc2: {  	[dreg:$0x1] =	wrdreg $0xFFFFFFFF  }
0xc3: {  	_ =	task.clear_ibuf [dreg:s8], $0x2FFFF;
	_ =	strace $0x9FFFFFFF  }
0xc4: {  	(tm) =	ssettm $0x7FFFFFFF  }
0xc5: {  	_ =	shalt  }
tec
execute0_lowered:
.L_overlay_start_1:
0x0: {  	(tag) =	ssettag $0x1  }
0x1: {  	s0 =	rddreg [dreg:$0x0]  }
0x2: {  	s1 =	rddreg [dreg:$0x1]  }
0x3: {  	s6 =	rddreg [dreg:$0x2]  }
0x4: {  	s2 =	simm.s32 $0x0;
	s3 =	srdreg.scid;
	s10 =	stileid.u32  }
0x5: {  	s11 =	simm.s32 $0x6400;
	s14 =	simm.s32 $0xA400;
	s16 =	simm.s32 $0xC400  }
0x6: {  	s17 =	simm.s32 $0x1;
	s18 =	simm.s32 $0xE400;
	s19 =	simm.s32 $0x10400  }
0x7: {  	s20 =	simm.s32 $0x2;
	s28 =	simm.s32 $0x7;
	s29 =	simm.s32 $0x8  }
0x8: {  	s30 =	simm.s32 $0x0;
	[smem:$0x7FF] =	sst s2;
	s4 =	smul.u32 $0xC8, s10  }
0x9: {  	s5 =	sand.u32 $0x1, s3;
	s21 =	sshll.u32 s10, $0x1;
	s24 =	smul.u32 $0x64000, s10  }
0xa: {  	s3 =	sadd.s32 $0x800, s1;
	s10 =	simm.s32 $0x80;
	s9 =	smul.u32 $0x64, s5  }
0xb: {  	s7 =	ssub.s32 $0x2, s5;
	s8 =	sor.u32 s5, s21;
	s26 =	smul.u32 $0x32000, s5  }
0xc: {  	_ =	strace $0x80000047;
	s22 =	sshrl.u32 s7, $0x1;
	s8 =	smul.u32 $0xC80, s8  }
0xd: {  	s21 =	simm.s32 $0x12400;
	s1 =	ssub.s32 s7, s22;
	s23 =	sadd.s32 s9, s4  }
0xe: {  	s9 =	simm.s32 $0x9;
	s22 =	simm.s32 $0x14400;
	s0 =	sadd.s32 s0, s8  }
.Ltmp0:
0xf: {  	s1 =	smax.u32 s1, $0x1;
	[dreg:$0x4] =	wrdreg s0;
	(pc) =	sbr.rel .LBB2_1-.Ltmp0, $4  }
0x10: {  	s25 =	sshll.u32 s23, $0xB;
	s23 =	simm.s32 $0x3;
	[dreg:$0x5] =	wrdreg s1  }
0x11: {  	s0 =	sadd.s32 s25, s6;
	s6 =	sadd.s32 s24, s6;
	s24 =	simm.s32 $0x5  }
0x12: {  	s25 =	simm.s32 $0x4;
	s31 =	sadd.s32 $0x1800, s0;
	s0 =	sadd.s32 $0x1000, s0  }
0x13: {  	s8 =	sadd.s32 s26, s6;
	s26 =	simm.s32 $0x6;
	[dreg:$0x6] =	wrdreg s31  }
.LBB2_4:
0x14: {  	_ =	swait.ge [sflag:s28], $0x4000  }
0x15: {  	[sflag:s28] =	ssyncset.done $0x0  }
0x16: {  	[sflag:s28] =	ssyncadd.s32 $0xFFFFC000  }
0x17: {  	_ =	swait.ge [sflag:s29], $0x4000  }
0x18: {  	s30 =	sadd.s32 $0x1, s30;
	s1 =	rddreg [dreg:$0x5]  }
0x19: {  	p0 =	sne.s32 s30, s1  }
.Ltmp1:
0x1a: {  	_ = 	snop;
	(pc) =	sbr.rel @!p0 .LBB2_5-.Ltmp1, $3  }
0x1b: {  	_ =	sdelay $0x1  }
0x1c: {  	[sflag:s29] =	ssyncset.done $0x0  }
0x1d: {  	[sflag:s29] =	ssyncadd.s32 $0xFFFFC000  }
.LBB2_1:
0x1e: {  	s1 =	rddreg [dreg:$0x4]  }
0x1f: {  	[tilespmem:s2], [sflag:$0x9] =	stream.linear.gather [hbm4b:s1+s2], $0x6400, $0x38;
	[tilespmem:$0x16400] =	vst v63  }
0x20: {  	_ =	swait.ge [sflag:s9], $0x6400  }
0x21: {  	[sflag:s9] =	ssyncset.done $0x0  }
0x22: {  	[sflag:s9] =	ssyncadd.s32 $0xFFFF9C00  }
0x23: {  	[tilespmem:s11], [sflag:$0x1] =	stream.indirect.gather [hbm4b:s3+s10], $0x40, s2, s10, $0xb8;
	[tilespmem:$0x16400] =	vst v63  }
0x24: {  	s12 =	simm.s32 $0x8400  }
0x25: {  	[tilespmem:s12], [sflag:$0x1] =	stream.indirect.gather [hbm4b:s3+s10], $0x40, s10, s10, $0xb8;
	[tilespmem:$0x16400] =	vst v63  }
0x26: {  	s13 =	simm.s32 $0x100;
	s15 =	simm.s32 $0x180;
	s31 =	smov.u32 s8  }
0x27: {  	[tilespmem:s14], [sflag:$0x2] =	stream.indirect.gather [hbm4b:s3+s10], $0x40, s13, s10, $0xb8;
	[tilespmem:$0x16400] =	vst v63  }
0x28: {  	s7 =	smov.u32 s0;
	s6 =	rddreg [dreg:$0x6];
	s12 =	simm.s32 $0x0  }
0x29: {  	[tilespmem:s16], [sflag:$0x2] =	stream.indirect.gather [hbm4b:s3+s10], $0x40, s15, s10, $0xb8;
	[tilespmem:$0x16400] =	vst v63  }
.LBB2_2:
0x2a: {  	_ =	swait.ge [sflag:s17], $0x2000  }
0x2b: {  	[sflag:s17] =	ssyncset.done $0x0  }
0x2c: {  	[sflag:s17] =	ssyncadd.s32 $0xFFFFE000  }
0x2d: {  	_ =	swait.ge [sflag:s17], $0x2000  }
0x2e: {  	p0 =	seq.s32 s12, $0x0;
	[sflag:s17] =	ssyncset.done $0x0  }
0x2f: {  	s15 =	simm.s32 @!p0 $0x7;
	[sflag:s17] =	ssyncadd.s32 $0xFFFFE000  }
0x30: {  	[hbm4b:s31+s2] =	stream.linear.scatter [tilespmem:s11], [sflag:$0x5], $0x4000, $0x38;
	[tilespmem:$0x16400] =	vst v63  }
0x31: {  	_ =	swait.ge @!p0 [sflag:s15], $0x4000  }
0x32: {  	s13 =	sshra.s32 s12, $0x2;
	[sflag:s15] =	ssyncset.done @!p0 $0x0  }
0x33: {  	s4 =	sadd.s32 $0x200, s13;
	[sflag:s15] =	ssyncadd.s32 @!p0 $0xFFFFC000  }
0x34: {  	[tilespmem:s18], [sflag:$0x3] =	stream.indirect.gather [hbm4b:s3+s10], $0x40, s4, s10, $0xb8;
	[tilespmem:$0x16400] =	vst v63  }
0x35: {  	s5 =	sadd.s32 $0x280, s13  }
0x36: {  	[tilespmem:s19], [sflag:$0x3] =	stream.indirect.gather [hbm4b:s3+s10], $0x40, s5, s10, $0xb8;
	[tilespmem:$0x16400] =	vst v63  }
0x37: {  	_ =	swait.ge [sflag:s20], $0x2000  }
0x38: {  	[sflag:s20] =	ssyncset.done $0x0  }
0x39: {  	[sflag:s20] =	ssyncadd.s32 $0xFFFFE000  }
0x3a: {  	_ =	swait.ge [sflag:s20], $0x2000  }
0x3b: {  	[sflag:s20] =	ssyncset.done $0x0  }
0x3c: {  	s1 =	sadd.s32 $0xFFFFF000, s6;
	s15 =	simm.s32 @!p0 $0x8;
	[sflag:s20] =	ssyncadd.s32 $0xFFFFE000  }
0x3d: {  	[hbm4b:s1+s2] =	stream.linear.scatter [tilespmem:s14], [sflag:$0x6], $0x4000, $0x38;
	[tilespmem:$0x16400] =	vst v63  }
0x3e: {  	_ =	swait.ge @!p0 [sflag:s15], $0x4000  }
0x3f: {  	[sflag:s15] =	ssyncset.done @!p0 $0x0  }
0x40: {  	s4 =	sadd.s32 $0x300, s13;
	[sflag:s15] =	ssyncadd.s32 @!p0 $0xFFFFC000  }
0x41: {  	[tilespmem:s21], [sflag:$0x4] =	stream.indirect.gather [hbm4b:s3+s10], $0x40, s4, s10, $0xb8;
	[tilespmem:$0x16400] =	vst v63  }
0x42: {  	s5 =	sadd.s32 $0x380, s13  }
0x43: {  	[tilespmem:s22], [sflag:$0x4] =	stream.indirect.gather [hbm4b:s3+s10], $0x40, s5, s10, $0xb8;
	[tilespmem:$0x16400] =	vst v63  }
0x44: {  	_ =	swait.ge [sflag:s23], $0x2000  }
0x45: {  	[sflag:s23] =	ssyncset.done $0x0  }
0x46: {  	[sflag:s23] =	ssyncadd.s32 $0xFFFFE000  }
0x47: {  	_ =	swait.ge [sflag:s23], $0x2000  }
0x48: {  	[sflag:s23] =	ssyncset.done $0x0  }
0x49: {  	[sflag:s23] =	ssyncadd.s32 $0xFFFFE000  }
0x4a: {  	[hbm4b:s7+s2] =	stream.linear.scatter [tilespmem:s18], [sflag:$0x7], $0x4000, $0x38;
	[tilespmem:$0x16400] =	vst v63  }
0x4b: {  	p0 =	seq.s32 s12, $0x18000;
	_ =	swait.ge [sflag:s24], $0x4000  }
0x4c: {  	s15 =	sshra.s32 @!p0 s12, $0x2;
	s1 =	simm.s32 @!p0 $0x6400;
	[sflag:s24] =	ssyncset.done $0x0  }
0x4d: {  	s4 =	sadd.s32 @!p0 $0x400, s15;
	s5 =	simm.s32 @!p0 $0x80;
	[sflag:s24] =	ssyncadd.s32 $0xFFFFC000  }
0x4e: {  	[tilespmem:s1], [sflag:$0x1] =	stream.indirect.gather @!p0 [hbm4b:s3+s5], $0x40, s4, s5, $0xb8;
	[tilespmem:$0x16400] =	vst v63  }
0x4f: {  	s1 =	sadd.s32 @!p0 $0x480, s15;
	s4 =	simm.s32 @!p0 $0x8400  }
0x50: {  	[tilespmem:s4], [sflag:$0x1] =	stream.indirect.gather @!p0 [hbm4b:s3+s5], $0x40, s1, s5, $0xb8;
	[tilespmem:$0x16400] =	vst v63  }
0x51: {  	_ =	swait.ge [sflag:s25], $0x2000  }
0x52: {  	[sflag:s25] =	ssyncset.done $0x0  }
0x53: {  	[sflag:s25] =	ssyncadd.s32 $0xFFFFE000  }
0x54: {  	_ =	swait.ge [sflag:s25], $0x2000  }
0x55: {  	[sflag:s25] =	ssyncset.done $0x0  }
.Ltmp2:
0x56: {  	[sflag:s25] =	ssyncadd.s32 $0xFFFFE000;
	(pc) =	sbr.rel @p0 .LBB2_4-.Ltmp2, $4  }
0x57: {  	[hbm4b:s6+s2] =	stream.linear.scatter [tilespmem:s21], [sflag:$0x8], $0x4000, $0x38;
	[tilespmem:$0x16400] =	vst v63  }
0x58: {  	_ =	swait.ge [sflag:s26], $0x4000  }
0x59: {  	[sflag:s26] =	ssyncset.done $0x0  }
0x5a: {  	[sflag:s26] =	ssyncadd.s32 $0xFFFFC000  }
.Ltmp3:
0x5b: {  	(pc) =	sbr.rel .LBB2_2-.Ltmp3, $4  }
0x5c: {  	s1 =	sadd.s32 $0x500, s13;
	s15 =	sadd.s32 $0x580, s13;
	s12 =	sadd.s32 $0x1000, s12  }
0x5d: {  	[tilespmem:s14], [sflag:$0x2] =	stream.indirect.gather [hbm4b:s3+s10], $0x40, s1, s10, $0xb8;
	[tilespmem:$0x16400] =	vst v63  }
0x5e: {  	s6 =	sadd.s32 $0x2000, s6;
	s7 =	sadd.s32 $0x2000, s7;
	s31 =	sadd.s32 $0x2000, s31  }
0x5f: {  	[tilespmem:s16], [sflag:$0x2] =	stream.indirect.gather [hbm4b:s3+s10], $0x40, s15, s10, $0xb8;
	[tilespmem:$0x16400] =	vst v63  }
.LBB2_5:
0x60: {  	_ =	sfence.sel $0x180000  }
0x61: {  	[bflag:$0x0] =	sbarrier.arrive $0xFFFF  }
0x62: {  	_ =	strace $0x90000047  }
0x63: {  	s0 =	stileid.u32;
	[bflag:$0x2] =	sbarrier.arrive $0xFFFF  }
0x64: {  	p0 =	sne.s32 s0, $0x0;
	s0 =	rddreg [dreg:$0x3]  }
0x65: {  	s0 =	sadd.s32 @!p0 $0x100000, s0  }
0x66: {  	[sflag:s0] =	ssyncadd.tile.s32 @!p0 $0x1;
	_ =	shalt  }
.Lfunc_end2:
_tile_overlayer_lowered:
.L_overlay_start_2:
0x67: {  	(tag) =	ssettag $0x2  }
0x68: {  	s0 =	rddreg [dreg:$0x0];
	s2 =	stileid.u32  }
0x69: {  	s1 =	rddreg [dreg:$0x1];
	p0 =	sne.s32 s2, $0x0  }
0x6a: {  	s3 =	rddreg [dreg:$0x2];
	[bflag:$0x3] =	sbarrier.arrive $0xFFFF;
	s2 =	simm.s32 @!p0 $0x1C09  }
0x6b: {  	[timem:s3], [sflag:s2] =	dma.local @!p0 [hbm:s0], s1  }
0x6c: {  	s0 =	simm.s32 @!p0 $0x9  }
0x6d: {  	_ =	swait.ge @!p0 [sflag:s0], s1  }
0x6e: {  	s1 =	ssub.s32 @!p0 $0x0, s1;
	[sflag:s0] =	ssyncset.done @!p0 $0x0  }
0x6f: {  	[sflag:s0] =	ssyncadd.s32 @!p0 s1  }
0x70: {  	[bflag:$0x3] =	sbarrier.arrive $0xFFFF  }
0x71: {  	_ =	shalt  }

// kernel: sparse-core-data-format-call.cloned.1.call-start
scs
called_computation_lowered:
.L_overlay_start_0:
0x0: {  	s2 =	sld [smem:$0x3FD9]  }
0x1: {  	s3 =	sld [smem:$0x3FFE];
	_ =	sdelay $0x1  }
0x2: {  	s1 =	srdreg.scid  }
0x3: {  	s0 =	sand.u32 $0x1, s1  }
0x4: {  	s18 =	sshll.u32 s0, $0xA;
	s2 =	sadd.s32 s3, s2  }
0x5: {  	s2 =	sadd.s32 s2, s18  }
0x6: {  	[smem:$0x3FC6] =	sst s2  }
0x7: {  	_ = 	snop  }
0x8: {  	s2 =	sld [smem:$0x3FD0];
	(tm) =	ssettm $0x1  }
0x9: {  	s19 =	sld [smem:$0x3FFB];
	_ =	sdelay $0x3  }
0xa: {  	_ =	strace s19  }
0xb: {  	s3 =	sld [smem:$0x3FFC];
	_ =	sdelay $0x3  }
0xc: {  	_ =	strace s3  }
0xd: {  	s3 =	sld [smem:$0x3FFD];
	_ =	sdelay $0x3  }
0xe: {  	_ =	strace s3  }
0xf: {  	_ =	strace $0x8FFFFFFF  }
0x10: {  	s20 =	sld [smem:$0x3FDB];
	_ =	sdelay $0x1  }
0x11: {  	s4 =	simm.s32 $_scs_section_size  }
0x12: {  	s5 =	simm.s32 $_size__tile_overlayer_lowered;
	s6 =	simm.s32 $_tile_overlayer_lowered  }
0x13: {  	s23 =	simm.s32 $0x1BFF;
	s22 =	sshll.u32 s6, $0x1;
	s3 =	sadd.s32 s4, s20  }
0x14: {  	s7 =	simm.s32 $0x0;
	s21 =	sshll.u32 s5, $0x1;
	s5 =	sadd.s32 s22, s3  }
0x15: {  	[timem:s7], [sflag:s23] =	dma.local [hbm:s5], s21  }
0x16: {  	_ =	swait.ge [sflag:s23], s21  }
0x17: {  	s4 =	ssub.s32 $0x0, s21;
	[sflag:s23] =	ssyncset.done $0x0  }
0x18: {  	[sflag:s23] =	ssyncadd.s32 s4;
	_ =	sdelay $0x1  }
0x19: {  	s24 =	simm.s32 $0x1B8B  }
0x1a: {  	_ =	swait.ge [sflag:s24], $0x1  }
0x1b: {  	[sflag:s24] =	ssyncset.done $0x0  }
0x1c: {  	s26 =	simm.s32 $0x1B8E;
	s25 =	sld [smem:$0x3FFE];
	[sflag:s24] =	ssyncadd.s32 $0xFFFFFFFF  }
0x1d: {  	s27 =	simm.s32 $execute0_lowered;
	[smem:$0x3FD2] =	sst s26  }
0x1e: {  	s5 =	sshll.u32 s27, $0x1;
	_ =	strace $0x80000049;
	[dreg:$0x1] =	wrdreg $0xFFFFFFFF  }
0x1f: {  	s28 =	simm.s32 $_size_execute0_lowered;
	s3 =	sadd.s32 s3, s5;
	[dreg:$0x0] =	wrdreg $0x0  }
0x20: {  	s5 =	sshll.u32 s28, $0x1;
	[dreg:$0x2] =	wrdreg s3  }
0x21: {  	[dreg:$0x3] =	wrdreg s5  }
0x22: {  	[dreg:$0x4] =	wrdreg $0xC0  }
0x23: {  	_ =	task [dreg:s7], $0x5FFFF  }
0x24: {  	[dreg:$0x1] =	wrdreg $0xFFFFFFFF  }
0x25: {  	[dreg:$0x0] =	wrdreg $0x60  }
0x26: {  	[dreg:$0x2] =	wrdreg s25  }
0x27: {  	[dreg:$0x3] =	wrdreg s2  }
0x28: {  	[dreg:$0x4] =	wrdreg $0x9  }
0x29: {  	_ =	task.clear_ibuf [dreg:s7], $0x5FFFF;
	_ =	strace $0x90000049  }
0x2a: {  	s29 =	simm.s32 $0x9;
	_ =	strace $0x8000004B  }
0x2b: {  	_ =	swait.ge [sflag:s29], $0x1  }
0x2c: {  	[sflag:s29] =	ssyncadd.s32 $0xFFFFFFFF  }
0x2d: {  	_ =	strace $0x9000004B  }
0x2e: {  	_ =	sfence  }
0x2f: {  	s30 =	sld [smem:$0x0];
	_ =	sdelay $0x2  }
0x30: {  	s31 =	sshll.u32 s1, $0xD;
	s1 =	sshrl.u32 s1, $0x2  }
0x31: {  	s3 =	sand.u32 $0x4000, s31;
	s1 =	sadd.s32 s1, s30  }
0x32: {  	s0 =	sor.u32 s3, s0;
	s1 =	sshll.u32 s1, $0x11  }
0x33: {  	s0 =	sor.u32 s1, s0  }
0x34: {  	s0 =	sadd.s32 $0x8F2B, s0  }
0x35: {  	[sflag:s0] =	ssyncadd.remote.s32 $0x1  }
0x36: {  	_ =	sfence.sel $0xFFFF  }
0x37: {  	[dreg:$0x0] =	wrdreg $0xFFFFFFFF;
	(pc) =	sbr.abs _section_cstart, $3  }
0x38: {  	[dreg:$0x1] =	wrdreg $0xFFFFFFFF  }
0x39: {  	_ =	task.clear_ibuf [dreg:s7], $0x2FFFF;
	_ =	strace $0x9FFFFFFF  }
0x3a: {  	(tm) =	ssettm $0x7FFFFFFF  }
0x3b: {  	_ =	shalt  }
tec
execute0_lowered:
.L_overlay_start_1:
0x0: {  	(tag) =	ssettag $0x1  }
0x1: {  	s0 =	srdreg.scid  }
0x2: {  	s1 =	sshll.u32 s0, $0x4  }
0x3: {  	s4 =	rddreg [dreg:$0x0];
	s0 =	stileid.u32;
	s1 =	sand.u32 $0x10, s1  }
0x4: {  	s2 =	rddreg [dreg:$0x1];
	s7 =	simm.s32 $0x1;
	s1 =	sor.u32 s0, s1  }
0x5: {  	s8 =	simm.s32 $0x2;
	s11 =	simm.s32 $0x0;
	s3 =	sshll.u32 s1, $0x7  }
0x6: {  	s10 =	simm.s32 $0x0;
	s4 =	sadd.s32 $0x800, s4;
	s6 =	ssub.s32 $0xC8000, s3  }
.Ltmp0:
0x7: {  	s1 =	rddreg [dreg:$0x2];
	s5 =	sand.u32 $0xF80, s6;
	(pc) =	sbr.rel .LBB1_1-.Ltmp0, $4  }
0x8: {  	_ =	strace $0x8000004A;
	s9 =	smov.u32 s3;
	p0 =	sne.s32 s5, $0x0  }
0x9: {  	s6 =	sshrl.u32 s6, $0xC;
	s5 =	simm.s32 $0x1;
	s7 =	simm.s32 @!p0 $0x0  }
0xa: {  	[sflag:s5] =	ssyncpa.u1 $0x0;
	p0 =	por $0x0, $0x0;
	s6 =	sadd.s32 s7, s6  }
0xb: {  	[sflag:s8] =	ssyncpa.u1 $0x0;
	s8 =	simm.s32 $0x640000;
	s7 =	sadd.s32 $0x1, s6  }
.LBB1_4:
0xc: {  	s14 =	sshll.u32 s11, $0x3  }
0xd: {  	s30 =	sand.u32 $0x7F, s11;
	s15 =	sand.u32 $0xFFFFFC00, s14  }
0xe: {  	s11 =	sor.u32 s30, s15  }
0xf: {  	s15 =	smulhi.u32 $0x51EB851F, s11  }
0x10: {  	s14 =	smulhi.u32 $0x51EB851F, s14  }
0x11: {  	s15 =	sshrl.u32 s15, $0x12  }
0x12: {  	s14 =	sshrl.u32 s14, $0x12;
	s15 =	smul.u32 $0xC8000, s15  }
0x13: {  	s14 =	sand.u32 $0x3F, s14  }
0x14: {  	s14 =	smul.u32 $0x19000, s14;
	s11 =	ssub.s32 s11, s15  }
0x15: {  	[tilespmem:s13+$0x810 ss:$0x81] =	vst.msk $0xffff, v2;
	s15 =	sand.u32 $0x7, s11  }
0x16: {  	[tilespmem:s13+$0x1020 ss:$0x81] =	vst.msk $0xffff, v0;
	s14 =	sadd.s32 s2, s14;
	s11 =	sshrl.u32 s11, $0x3;
	s15 =	sshll.u32 s15, $0x12  }
0x17: {  	[tilespmem:s13+$0x0 ss:$0x81] =	vst.msk $0xffff, v1;
	s11 =	sadd.s32 s11, s14;
	s31 =	sor.u32 $0x400, s15  }
0x18: {  	[hbm4b:s11+s31] =	stream.strided.scatter [tilespmem:s12], [sflag:$0x2], $0x2000, s8, s31, $0x20;
	[tilespmem:$0x8080] =	vst v63  }
.LBB1_5:
0x19: {  	s13 =	sadd.s32 $0x1000, s9  }
0x1a: {  	p2 =	sgt.s32 s13, $0xC7FFF  }
0x1b: {  	s13 =	smov.u32 @p2 s3;
	p2 =	sne.s32 s10, s7  }
.Ltmp1:
0x1c: {  	p1 =	slt.u32 s10, $0x2;
	(pc) =	sbr.rel @!p2 .LBB1_6-.Ltmp1, $4  }
0x1d: {  	s12 =	simm.s32 @!p1 $0x2  }
0x1e: {  	s14 =	sadd.s32 $0x1, s10;
	_ =	swait.ge @!p1 [sflag:s12], $0x2000  }
0x1f: {  	s11 =	smov.u32 s9;
	p0 =	por !p0, !p0;
	[sflag:s12] =	ssyncset.done @!p1 $0x0  }
0x20: {  	s10 =	smov.u32 s14;
	s9 =	smov.u32 s13;
	[sflag:s12] =	ssyncadd.s32 @!p1 $0xFFFFE000  }
.LBB1_1:
0x21: {  	p1 =	sge.u32 s10, s6  }
0x22: {  	s12 =	sand.u32 @!p1 $0x1FFFFFF, s9  }
0x23: {  	s13 =	smulhi.u32 @!p1 $0x147AE15, s12;
	_ =	sdelay $0x1  }
0x24: {  	s13 =	sshrl.u32 @!p1 s13, $0xC  }
0x25: {  	s13 =	smul.u32 @!p1 $0xC8000, s13;
	_ =	sdelay $0x1  }
0x26: {  	s31 =	sadd.s32 $0xFFFFFFFF, s10;
	s14 =	sxor.u32 @!p1 $0xFFFFFFFF, s10;
	s12 =	ssub.s32 @!p1 s12, s13  }
0x27: {  	s15 =	simm.s32 @!p1 $0x80;
	s14 =	sshll.u32 @!p1 s14, $0xD;
	s12 =	sshll.u32 @!p1 s12, $0x4  }
0x28: {  	s13 =	sand.u32 @!p1 $0x2000, s14;
	s14 =	simm.s32 @!p1 $0x40;
	s12 =	sadd.s32 @!p1 s4, s12  }
0x29: {  	[tilespmem:s13], [sflag:$0x1] =	stream.strided.gather @!p1 [hbm4b:s12+s14], $0x2000, s15, s14, $0x38;
	[tilespmem:$0x8080] =	vst v63  }
0x2a: {  	p1 =	sge.u32 s31, s6  }
.Ltmp2:
0x2b: {  	_ = 	snop;
	(pc) =	sbr.rel @p1 .LBB1_5-.Ltmp2, $1  }
0x2c: {  	_ =	sdelay $0x3  }
0x2d: {  	s12 =	simm.s32 $0x1  }
0x2e: {  	_ =	swait.ge [sflag:s5], $0x2000;
	s12 =	simm.s32 @!p0 $0x0  }
0x2f: {  	[sflag:s5] =	ssyncset.done $0x0;
	s13 =	sshll.u32 s12, $0xD  }
0x30: {  	[sflag:s5] =	ssyncadd.s32 $0xFFFFE000;
	s16 =	sor.u32 $0x20, s13  }
0x31: {  	s12 =	smul.u32 $0x8100, s12;
	v3 =	vld [tilespmem:s16+$0x10]  }
0x32: {  	s30 =	sand.u32 $0x1, s10;
	v2 =	vld [tilespmem:s16+$0xFFFFFFF0]  }
0x33: {  	s13 =	smul.u32 $0x8100, s30;
	s12 =	sshrl.u32 s12, $0x2;
	v0 =	vld [tilespmem:s16+$0x0]  }
0x34: {  	v1 =	vld [tilespmem:s16+$0xFFFFFFE0];
	s14 =	sor.u32 $0x4000, s12  }
0x35: {  	s31 =	sshrl.u32 s13, $0x2;
	s13 =	sadd.s32 $0x0, s14  }
0x36: {  	s15 =	simm.s32 $0x4;
	s16 =	sadd.s32 $0x40, s16;
	s12 =	sor.u32 $0x4000, s31;
	[tilespmem:s13+$0x1830 ss:$0x81] =	vst.msk $0xffff, v3  }
.LBB1_3:
0x37: {  	v3 =	vld [tilespmem:s16+$0x10];
	p1 =	sne.s32 s15, $0x1FC;
	[tilespmem:s13+$0x810 ss:$0x81] =	vst.msk $0xffff, v2;
	s17 =	smov.u32 s15;
	s15 =	sadd.s32 $0x4, s15  }
.Ltmp3:
0x38: {  	v2 =	vld [tilespmem:s16+$0xFFFFFFF0];
	[tilespmem:s13+$0x1020 ss:$0x81] =	vst.msk $0xffff, v0;
	(pc) =	sbr.rel @p1 .LBB1_3-.Ltmp3, $4  }
0x39: {  	v0 =	vld [tilespmem:s16+$0x0];
	[tilespmem:s13+$0x0 ss:$0x81] =	vst.msk $0xffff, v1  }
0x3a: {  	s13 =	sshra.s32 s17, $0x2;
	v1 =	vld [tilespmem:s16+$0xFFFFFFE0]  }
0x3b: {  	s13 =	sadd.s32 s13, s14  }
0x3c: {  	s16 =	sadd.s32 $0x40, s16;
	[tilespmem:s13+$0x1830 ss:$0x81] =	vst.msk $0xffff, v3  }
.Ltmp4:
0x3d: {  	_ = 	snop;
	(pc) =	sbr.rel .LBB1_4-.Ltmp4, $1  }
0x3e: {  	_ =	sdelay $0x3  }
.LBB1_6:
0x3f: {  	_ =	sfence.sel $0x180000  }
0x40: {  	s2 =	simm.s32 $0x1;
	[bflag:$0x0] =	sbarrier.arrive $0xFFFF  }
0x41: {  	s31 =	simm.s32 $0x2;
	[sflag:s2] =	ssyncpa.u1 $0x1  }
0x42: {  	[sflag:s31] =	ssyncpa.u1 $0x1  }
0x43: {  	p0 =	sne.s32 s0, $0x0;
	_ =	strace $0x9000004A  }
0x44: {  	s0 =	sadd.s32 @!p0 $0x100000, s1;
	[bflag:$0x2] =	sbarrier.arrive $0xFFFF  }
0x45: {  	[sflag:s0] =	ssyncadd.tile.s32 @!p0 $0x1;
	_ =	shalt  }
.Lfunc_end1:
_tile_overlayer_lowered:
.L_overlay_start_2:
0x46: {  	(tag) =	ssettag $0x2  }
0x47: {  	s0 =	rddreg [dreg:$0x0];
	s2 =	stileid.u32  }
0x48: {  	s1 =	rddreg [dreg:$0x1];
	p0 =	sne.s32 s2, $0x0  }
0x49: {  	s3 =	rddreg [dreg:$0x2];
	[bflag:$0x3] =	sbarrier.arrive $0xFFFF;
	s2 =	simm.s32 @!p0 $0x1C01  }
0x4a: {  	[timem:s3], [sflag:s2] =	dma.local @!p0 [hbm:s0], s1  }
0x4b: {  	s0 =	simm.s32 @!p0 $0x1  }
0x4c: {  	_ =	swait.ge @!p0 [sflag:s0], s1  }
0x4d: {  	s1 =	ssub.s32 @!p0 $0x0, s1;
	[sflag:s0] =	ssyncset.done @!p0 $0x0  }
0x4e: {  	[sflag:s0] =	ssyncadd.s32 @!p0 s1  }
0x4f: {  	[bflag:$0x3] =	sbarrier.arrive $0xFFFF  }
0x50: {  	_ =	shalt  }

</sc_bundles>
